<compile_context>
chip_gen: v7x
topology: tpu7x:2x2x1
jax: 0.10.2.dev20260603
libtpu: 0.0.44.dev20260713+nightly
codegen_flags: <defaults>
</compile_context>

<pallas_src>
import functools

import jax
import jax.numpy as jnp
from jax import lax
from jax.experimental import pallas as pl
from jax.experimental.pallas import tpu as pltpu
from jax.experimental.pallas import tpu_sc as plsc

NC = 2
NS = 16
NW = NC * NS
CHUNK = 80
NSLOT = 8
LOOK = 6
WDRAIN = 2


@functools.partial(jax.jit, static_argnums=(2, 3))
def _gather_flat(idx, table, n, d):
    per_w = n // NW
    n_chunks = per_w // CHUNK
    n_main = (n_chunks // NSLOT) * NSLOT
    idx3 = idx.reshape(NW, n_chunks, CHUNK)

    mesh = plsc.VectorSubcoreMesh(
        core_axis_name="c", subcore_axis_name="s",
        num_cores=NC, num_subcores=NS)

    @functools.partial(
        pl.kernel,
        out_type=jax.ShapeDtypeStruct((n, d), jnp.float32),
        mesh=mesh,
        scratch_types=[
            pltpu.VMEM((n_chunks, CHUNK), jnp.int32),
            pltpu.VMEM((NSLOT, CHUNK, d), jnp.float32),
            [pltpu.SemaphoreType.DMA] * NSLOT,
            [pltpu.SemaphoreType.DMA] * NSLOT,
        ],
    )
    def emb(idx_hbm, table_hbm, out_hbm, idx_v, rows_v, gsems, wsems):
        wid = lax.axis_index("s") * NC + lax.axis_index("c")
        base = wid * per_w

        def gather(j, slot):
            pltpu.async_copy(
                table_hbm.at[idx_v.at[j]], rows_v.at[slot], gsems[slot])

        def gather_wait(j, slot):
            pltpu.make_async_copy(
                table_hbm.at[idx_v.at[j]], rows_v.at[slot],
                gsems[slot]).wait()

        def write(j, slot):
            pltpu.async_copy(
                rows_v.at[slot], out_hbm.at[pl.ds(base + j * CHUNK, CHUNK)],
                wsems[slot])

        def write_wait(j, slot):
            pltpu.make_async_copy(
                rows_v.at[slot], out_hbm.at[pl.ds(base + j * CHUNK, CHUNK)],
                wsems[slot]).wait()

        pltpu.sync_copy(idx_hbm.at[wid], idx_v)
        for j in range(LOOK):
            gather(j, j)

        def step(g):
            for b in range(NSLOT):
                j = g * NSLOT + b
                nb = (b + LOOK) % NSLOT

                @pl.when(j >= WDRAIN)
                def _():
                    write_wait(j - WDRAIN, (b + NSLOT - WDRAIN) % NSLOT)

                @pl.when(j + LOOK < n_chunks)
                def _():
                    gather(j + LOOK, nb)

                gather_wait(j, b)
                write(j, b)

        pl.loop(0, n_main // NSLOT)(step)
        for j in range(n_main, n_chunks):
            gather_wait(j, j % NSLOT)
            write(j, j % NSLOT)
        for j in range(n_main - WDRAIN, n_chunks):
            write_wait(j, j % NSLOT)

    return emb(idx3, table)


def kernel(x, table):
    b, s = x.shape
    v, d = table.shape
    n = b * s
    flat = _gather_flat(x.reshape(n), table, n, d)
    return flat.reshape(b, s, d)

# --- scband reference (transcript-rebuilt; emitter-appended) ---
"""Pipeline reference for scband-text-encoder-56556129353954 (READ-ONLY COPY).

The authoritative reference and input builder live on the scoring server;
editing this copy changes nothing except your own understanding.
"""

import jax, jax.numpy as jnp
import numpy as np

VOCAB = 100000
DIM = 128
PAD = 0


def setup_inputs(seed: int = 0) -> dict:
    key = jax.random.key(seed)
    k1, k2 = jax.random.split(key)
    x = jax.random.randint(k1, (4096, 200), 0, VOCAB)
    table = jax.random.normal(k2, (VOCAB, DIM), dtype=jnp.float32)
    # nn.Embedding zero-initializes the padding_idx row
    table = table.at[PAD].set(0.0)
    return {"x": x, "table": table}


def reference(x, table):
    # TextEncoder.forward: return self.embed1(x)
    # nn.Embedding lookup == row gather from the weight table
    return jnp.take(table, x, axis=0)

if __name__ == "__main__":
    import jax
    _d = setup_inputs()
    print(jax.jit(kernel)(*tuple(_d.values())))

</pallas_src>

<mosaic_0001>
#map = affine_map<(d0, d1) -> (0, 0, 0)>
#map1 = affine_map<(d0, d1) -> (0, 0)>
module attributes {stable_mosaic.version = 14 : i64} {
  func.func @emb(%arg0: i32, %arg1: i32, %arg2: memref<32x320x80xi32, #tpu.memory_space<hbm>>, %arg3: memref<100000x128xf32, #tpu.memory_space<hbm>>, %arg4: memref<819200x128xf32, #tpu.memory_space<hbm>>, %arg5: memref<320x80xi32, #tpu.memory_space<vmem>>, %arg6: memref<8x80x128xf32, #tpu.memory_space<vmem>>, %arg7: memref<!tpu.dma_semaphore, #tpu.memory_space<semaphore_mem>>, %arg8: memref<!tpu.dma_semaphore, #tpu.memory_space<semaphore_mem>>, %arg9: memref<!tpu.dma_semaphore, #tpu.memory_space<semaphore_mem>>, %arg10: memref<!tpu.dma_semaphore, #tpu.memory_space<semaphore_mem>>, %arg11: memref<!tpu.dma_semaphore, #tpu.memory_space<semaphore_mem>>, %arg12: memref<!tpu.dma_semaphore, #tpu.memory_space<semaphore_mem>>, %arg13: memref<!tpu.dma_semaphore, #tpu.memory_space<semaphore_mem>>, %arg14: memref<!tpu.dma_semaphore, #tpu.memory_space<semaphore_mem>>, %arg15: memref<!tpu.dma_semaphore, #tpu.memory_space<semaphore_mem>>, %arg16: memref<!tpu.dma_semaphore, #tpu.memory_space<semaphore_mem>>, %arg17: memref<!tpu.dma_semaphore, #tpu.memory_space<semaphore_mem>>, %arg18: memref<!tpu.dma_semaphore, #tpu.memory_space<semaphore_mem>>, %arg19: memref<!tpu.dma_semaphore, #tpu.memory_space<semaphore_mem>>, %arg20: memref<!tpu.dma_semaphore, #tpu.memory_space<semaphore_mem>>, %arg21: memref<!tpu.dma_semaphore, #tpu.memory_space<semaphore_mem>>, %arg22: memref<!tpu.dma_semaphore, #tpu.memory_space<semaphore_mem>>) attributes {dimension_semantics = [#tpu.dimension_semantics<core_parallel>, #tpu.dimension_semantics<subcore_parallel>], iteration_bounds = array<i64: 2, 16>, scalar_prefetch = 0 : i64, scratch_operands = 18 : i64, tpu.core_type = #tpu.core_type<sc_vector_subcore>, window_params = [{transform_indices = #map}, {transform_indices = #map1}, {transform_indices = #map1}]} {
    %mul3A = arith.constant 2 : i32
    %mul3A_0 = arith.muli %arg1, %mul3A : i32
    %add3A = arith.addi %mul3A_0, %arg0 : i32
    %mul3A_1 = arith.constant 25600 : i32
    %mul3A_2 = arith.muli %add3A, %mul3A_1 : i32
    "tpu.region"() ({
      %run_scoped3A = tpu.sem_alloc : memref<!tpu.dma_semaphore, #tpu.memory_space<semaphore_mem>>
      %dma_start3A_107 = arith.constant 0 : i32
      %dma_start3A_108 = arith.constant 0 : i32
      %dma_start3A_109 = tpu.memref_slice %arg2[%add3A, %dma_start3A_107, %dma_start3A_108] : memref<32x320x80xi32, #tpu.memory_space<hbm>> -> memref<1x320x80xi32, #tpu.memory_space<hbm>>
      %dma_start3A_110 = tpu.memref_squeeze %dma_start3A_109 : memref<1x320x80xi32, #tpu.memory_space<hbm>> -> memref<320x80xi32, #tpu.memory_space<hbm>>
      %dma_start3A_111 = arith.constant 0 : i32
      %dma_start3A_112 = arith.constant 0 : i32
      %dma_start3A_113 = tpu.memref_slice %arg2[%add3A, %dma_start3A_111, %dma_start3A_112] : memref<32x320x80xi32, #tpu.memory_space<hbm>> -> memref<1x320x80xi32, #tpu.memory_space<hbm>>
      %dma_start3A_114 = tpu.memref_squeeze %dma_start3A_113 : memref<1x320x80xi32, #tpu.memory_space<hbm>> -> memref<320x80xi32, #tpu.memory_space<hbm>>
      tpu.enqueue_dma source(%dma_start3A_114 : memref<320x80xi32, #tpu.memory_space<hbm>>) target(%arg5 : memref<320x80xi32, #tpu.memory_space<vmem>>) target_semaphore(%run_scoped3A : memref<!tpu.dma_semaphore, #tpu.memory_space<semaphore_mem>>)
      %dma_wait3A_115 = arith.constant 0 : i32
      %dma_wait3A_116 = arith.constant 0 : i32
      %dma_wait3A_117 = tpu.memref_slice %arg2[%add3A, %dma_wait3A_115, %dma_wait3A_116] : memref<32x320x80xi32, #tpu.memory_space<hbm>> -> memref<1x320x80xi32, #tpu.memory_space<hbm>>
      %dma_wait3A_118 = tpu.memref_squeeze %dma_wait3A_117 : memref<1x320x80xi32, #tpu.memory_space<hbm>> -> memref<320x80xi32, #tpu.memory_space<hbm>>
      %dma_wait3A_119 = arith.constant 0 : i32
      %dma_wait3A_120 = arith.constant 0 : i32
      %dma_wait3A_121 = tpu.memref_slice %arg2[%add3A, %dma_wait3A_119, %dma_wait3A_120] : memref<32x320x80xi32, #tpu.memory_space<hbm>> -> memref<1x320x80xi32, #tpu.memory_space<hbm>>
      %dma_wait3A_122 = tpu.memref_squeeze %dma_wait3A_121 : memref<1x320x80xi32, #tpu.memory_space<hbm>> -> memref<320x80xi32, #tpu.memory_space<hbm>>
      tpu.wait_dma2 semaphore(%run_scoped3A : memref<!tpu.dma_semaphore, #tpu.memory_space<semaphore_mem>>) src(%dma_wait3A_122 : memref<320x80xi32, #tpu.memory_space<hbm>>) dst(%arg5 : memref<320x80xi32, #tpu.memory_space<vmem>>)
      tpu.yield
    }) : () -> ()
    %dma_start3A = arith.constant 0 : i32
    %dma_start3A_3 = arith.constant 0 : i32
    %dma_start3A_4 = arith.constant 0 : i32
    %dma_start3A_5 = arith.constant 0 : i32
    %dma_start3A_6 = tpu.memref_slice %arg6[%dma_start3A_3, %dma_start3A_4, %dma_start3A_5] : memref<8x80x128xf32, #tpu.memory_space<vmem>> -> memref<1x80x128xf32, #tpu.memory_space<vmem>>
    %dma_start3A_7 = tpu.memref_squeeze %dma_start3A_6 : memref<1x80x128xf32, #tpu.memory_space<vmem>> -> memref<80x128xf32, #tpu.memory_space<vmem>>
    %dma_start3A_8 = arith.constant 0 : i32
    %dma_start3A_9 = tpu.memref_slice %arg5[%dma_start3A, %dma_start3A_8] : memref<320x80xi32, #tpu.memory_space<vmem>> -> memref<1x80xi32, #tpu.memory_space<vmem>>
    %dma_start3A_10 = tpu.memref_squeeze %dma_start3A_9 : memref<1x80xi32, #tpu.memory_space<vmem>> -> memref<80xi32, #tpu.memory_space<vmem>>
    %dma_start3A_11 = arith.constant 0 : i32
    %dma_start3A_12 = arith.constant 0 : i32
    %dma_start3A_13 = tpu.memref_slice %arg3[%dma_start3A_11, %dma_start3A_12] : memref<100000x128xf32, #tpu.memory_space<hbm>> -> memref<100000x128xf32, #tpu.memory_space<hbm>>
    tpu.enqueue_indirect_dma source(%dma_start3A_13 : memref<100000x128xf32, #tpu.memory_space<hbm>>) target(%dma_start3A_7 : memref<80x128xf32, #tpu.memory_space<vmem>>) offsets(%dma_start3A_10 : memref<80xi32, #tpu.memory_space<vmem>>) semaphore(%arg7 : memref<!tpu.dma_semaphore, #tpu.memory_space<semaphore_mem>>)
    %dma_start3A_14 = arith.constant 1 : i32
    %dma_start3A_15 = arith.constant 1 : i32
    %dma_start3A_16 = arith.constant 0 : i32
    %dma_start3A_17 = arith.constant 0 : i32
    %dma_start3A_18 = tpu.memref_slice %arg6[%dma_start3A_15, %dma_start3A_16, %dma_start3A_17] : memref<8x80x128xf32, #tpu.memory_space<vmem>> -> memref<1x80x128xf32, #tpu.memory_space<vmem>>
    %dma_start3A_19 = tpu.memref_squeeze %dma_start3A_18 : memref<1x80x128xf32, #tpu.memory_space<vmem>> -> memref<80x128xf32, #tpu.memory_space<vmem>>
    %dma_start3A_20 = arith.constant 0 : i32
    %dma_start3A_21 = tpu.memref_slice %arg5[%dma_start3A_14, %dma_start3A_20] : memref<320x80xi32, #tpu.memory_space<vmem>> -> memref<1x80xi32, #tpu.memory_space<vmem>>
    %dma_start3A_22 = tpu.memref_squeeze %dma_start3A_21 : memref<1x80xi32, #tpu.memory_space<vmem>> -> memref<80xi32, #tpu.memory_space<vmem>>
    %dma_start3A_23 = arith.constant 0 : i32
    %dma_start3A_24 = arith.constant 0 : i32
    %dma_start3A_25 = tpu.memref_slice %arg3[%dma_start3A_23, %dma_start3A_24] : memref<100000x128xf32, #tpu.memory_space<hbm>> -> memref<100000x128xf32, #tpu.memory_space<hbm>>
    tpu.enqueue_indirect_dma source(%dma_start3A_25 : memref<100000x128xf32, #tpu.memory_space<hbm>>) target(%dma_start3A_19 : memref<80x128xf32, #tpu.memory_space<vmem>>) offsets(%dma_start3A_22 : memref<80xi32, #tpu.memory_space<vmem>>) semaphore(%arg8 : memref<!tpu.dma_semaphore, #tpu.memory_space<semaphore_mem>>)
    %dma_start3A_26 = arith.constant 2 : i32
    %dma_start3A_27 = arith.constant 2 : i32
    %dma_start3A_28 = arith.constant 0 : i32
    %dma_start3A_29 = arith.constant 0 : i32
    %dma_start3A_30 = tpu.memref_slice %arg6[%dma_start3A_27, %dma_start3A_28, %dma_start3A_29] : memref<8x80x128xf32, #tpu.memory_space<vmem>> -> memref<1x80x128xf32, #tpu.memory_space<vmem>>
    %dma_start3A_31 = tpu.memref_squeeze %dma_start3A_30 : memref<1x80x128xf32, #tpu.memory_space<vmem>> -> memref<80x128xf32, #tpu.memory_space<vmem>>
    %dma_start3A_32 = arith.constant 0 : i32
    %dma_start3A_33 = tpu.memref_slice %arg5[%dma_start3A_26, %dma_start3A_32] : memref<320x80xi32, #tpu.memory_space<vmem>> -> memref<1x80xi32, #tpu.memory_space<vmem>>
    %dma_start3A_34 = tpu.memref_squeeze %dma_start3A_33 : memref<1x80xi32, #tpu.memory_space<vmem>> -> memref<80xi32, #tpu.memory_space<vmem>>
    %dma_start3A_35 = arith.constant 0 : i32
    %dma_start3A_36 = arith.constant 0 : i32
    %dma_start3A_37 = tpu.memref_slice %arg3[%dma_start3A_35, %dma_start3A_36] : memref<100000x128xf32, #tpu.memory_space<hbm>> -> memref<100000x128xf32, #tpu.memory_space<hbm>>
    tpu.enqueue_indirect_dma source(%dma_start3A_37 : memref<100000x128xf32, #tpu.memory_space<hbm>>) target(%dma_start3A_31 : memref<80x128xf32, #tpu.memory_space<vmem>>) offsets(%dma_start3A_34 : memref<80xi32, #tpu.memory_space<vmem>>) semaphore(%arg9 : memref<!tpu.dma_semaphore, #tpu.memory_space<semaphore_mem>>)
    %dma_start3A_38 = arith.constant 3 : i32
    %dma_start3A_39 = arith.constant 3 : i32
    %dma_start3A_40 = arith.constant 0 : i32
    %dma_start3A_41 = arith.constant 0 : i32
    %dma_start3A_42 = tpu.memref_slice %arg6[%dma_start3A_39, %dma_start3A_40, %dma_start3A_41] : memref<8x80x128xf32, #tpu.memory_space<vmem>> -> memref<1x80x128xf32, #tpu.memory_space<vmem>>
    %dma_start3A_43 = tpu.memref_squeeze %dma_start3A_42 : memref<1x80x128xf32, #tpu.memory_space<vmem>> -> memref<80x128xf32, #tpu.memory_space<vmem>>
    %dma_start3A_44 = arith.constant 0 : i32
    %dma_start3A_45 = tpu.memref_slice %arg5[%dma_start3A_38, %dma_start3A_44] : memref<320x80xi32, #tpu.memory_space<vmem>> -> memref<1x80xi32, #tpu.memory_space<vmem>>
    %dma_start3A_46 = tpu.memref_squeeze %dma_start3A_45 : memref<1x80xi32, #tpu.memory_space<vmem>> -> memref<80xi32, #tpu.memory_space<vmem>>
    %dma_start3A_47 = arith.constant 0 : i32
    %dma_start3A_48 = arith.constant 0 : i32
    %dma_start3A_49 = tpu.memref_slice %arg3[%dma_start3A_47, %dma_start3A_48] : memref<100000x128xf32, #tpu.memory_space<hbm>> -> memref<100000x128xf32, #tpu.memory_space<hbm>>
    tpu.enqueue_indirect_dma source(%dma_start3A_49 : memref<100000x128xf32, #tpu.memory_space<hbm>>) target(%dma_start3A_43 : memref<80x128xf32, #tpu.memory_space<vmem>>) offsets(%dma_start3A_46 : memref<80xi32, #tpu.memory_space<vmem>>) semaphore(%arg10 : memref<!tpu.dma_semaphore, #tpu.memory_space<semaphore_mem>>)
    %dma_start3A_50 = arith.constant 4 : i32
    %dma_start3A_51 = arith.constant 4 : i32
    %dma_start3A_52 = arith.constant 0 : i32
    %dma_start3A_53 = arith.constant 0 : i32
    %dma_start3A_54 = tpu.memref_slice %arg6[%dma_start3A_51, %dma_start3A_52, %dma_start3A_53] : memref<8x80x128xf32, #tpu.memory_space<vmem>> -> memref<1x80x128xf32, #tpu.memory_space<vmem>>
    %dma_start3A_55 = tpu.memref_squeeze %dma_start3A_54 : memref<1x80x128xf32, #tpu.memory_space<vmem>> -> memref<80x128xf32, #tpu.memory_space<vmem>>
    %dma_start3A_56 = arith.constant 0 : i32
    %dma_start3A_57 = tpu.memref_slice %arg5[%dma_start3A_50, %dma_start3A_56] : memref<320x80xi32, #tpu.memory_space<vmem>> -> memref<1x80xi32, #tpu.memory_space<vmem>>
    %dma_start3A_58 = tpu.memref_squeeze %dma_start3A_57 : memref<1x80xi32, #tpu.memory_space<vmem>> -> memref<80xi32, #tpu.memory_space<vmem>>
    %dma_start3A_59 = arith.constant 0 : i32
    %dma_start3A_60 = arith.constant 0 : i32
    %dma_start3A_61 = tpu.memref_slice %arg3[%dma_start3A_59, %dma_start3A_60] : memref<100000x128xf32, #tpu.memory_space<hbm>> -> memref<100000x128xf32, #tpu.memory_space<hbm>>
    tpu.enqueue_indirect_dma source(%dma_start3A_61 : memref<100000x128xf32, #tpu.memory_space<hbm>>) target(%dma_start3A_55 : memref<80x128xf32, #tpu.memory_space<vmem>>) offsets(%dma_start3A_58 : memref<80xi32, #tpu.memory_space<vmem>>) semaphore(%arg11 : memref<!tpu.dma_semaphore, #tpu.memory_space<semaphore_mem>>)
    %dma_start3A_62 = arith.constant 5 : i32
    %dma_start3A_63 = arith.constant 5 : i32
    %dma_start3A_64 = arith.constant 0 : i32
    %dma_start3A_65 = arith.constant 0 : i32
    %dma_start3A_66 = tpu.memref_slice %arg6[%dma_start3A_63, %dma_start3A_64, %dma_start3A_65] : memref<8x80x128xf32, #tpu.memory_space<vmem>> -> memref<1x80x128xf32, #tpu.memory_space<vmem>>
    %dma_start3A_67 = tpu.memref_squeeze %dma_start3A_66 : memref<1x80x128xf32, #tpu.memory_space<vmem>> -> memref<80x128xf32, #tpu.memory_space<vmem>>
    %dma_start3A_68 = arith.constant 0 : i32
    %dma_start3A_69 = tpu.memref_slice %arg5[%dma_start3A_62, %dma_start3A_68] : memref<320x80xi32, #tpu.memory_space<vmem>> -> memref<1x80xi32, #tpu.memory_space<vmem>>
    %dma_start3A_70 = tpu.memref_squeeze %dma_start3A_69 : memref<1x80xi32, #tpu.memory_space<vmem>> -> memref<80xi32, #tpu.memory_space<vmem>>
    %dma_start3A_71 = arith.constant 0 : i32
    %dma_start3A_72 = arith.constant 0 : i32
    %dma_start3A_73 = tpu.memref_slice %arg3[%dma_start3A_71, %dma_start3A_72] : memref<100000x128xf32, #tpu.memory_space<hbm>> -> memref<100000x128xf32, #tpu.memory_space<hbm>>
    tpu.enqueue_indirect_dma source(%dma_start3A_73 : memref<100000x128xf32, #tpu.memory_space<hbm>>) target(%dma_start3A_67 : memref<80x128xf32, #tpu.memory_space<vmem>>) offsets(%dma_start3A_70 : memref<80xi32, #tpu.memory_space<vmem>>) semaphore(%arg12 : memref<!tpu.dma_semaphore, #tpu.memory_space<semaphore_mem>>)
    %scan3A = arith.constant 0 : i32
    %scan3A_74 = arith.constant 40 : i32
    %scan3A_75 = arith.addi %scan3A, %scan3A_74 : i32
    %scan3A_76 = arith.constant 1 : i32
    scf.for %scan3A_107 = %scan3A to %scan3A_75 step %scan3A_76  : i32 {
      %mul3A_108 = arith.constant 1 : i32
      %mul3A_109 = arith.muli %scan3A_107, %mul3A_108 : i32
      %add3A_110 = arith.constant 0 : i32
      %add3A_111 = arith.addi %add3A_110, %mul3A_109 : i32
      %mul3A_112 = arith.constant 8 : i32
      %mul3A_113 = arith.muli %add3A_111, %mul3A_112 : i32
      %add3A_114 = arith.constant 0 : i32
      %add3A_115 = arith.addi %mul3A_113, %add3A_114 : i32
      %ge3A = arith.constant 2 : i32
      %ge3A_116 = arith.cmpi sge, %add3A_115, %ge3A : i32
      %convert_element_type3A = arith.extui %ge3A_116 : i1 to i32
      %cond3A = arith.constant 0 : i32
      %cond3A_117 = arith.cmpi ne, %convert_element_type3A, %cond3A : i32
      scf.if %cond3A_117 {
        %sub3A = arith.constant 2 : i32
        %sub3A_452 = arith.subi %add3A_115, %sub3A : i32
        %mul3A_453 = arith.constant 80 : i32
        %mul3A_454 = arith.muli %sub3A_452, %mul3A_453 : i32
        %add3A_455 = arith.addi %mul3A_2, %mul3A_454 : i32
        %dma_wait3A_456 = arith.constant 6 : i32
        %dma_wait3A_457 = arith.constant 0 : i32
        %dma_wait3A_458 = arith.constant 0 : i32
        %dma_wait3A_459 = tpu.memref_slice %arg6[%dma_wait3A_456, %dma_wait3A_457, %dma_wait3A_458] : memref<8x80x128xf32, #tpu.memory_space<vmem>> -> memref<1x80x128xf32, #tpu.memory_space<vmem>>
        %dma_wait3A_460 = tpu.memref_squeeze %dma_wait3A_459 : memref<1x80x128xf32, #tpu.memory_space<vmem>> -> memref<80x128xf32, #tpu.memory_space<vmem>>
        %dma_wait3A_461 = arith.constant 0 : i32
        %dma_wait3A_462 = tpu.memref_slice %arg4[%add3A_455, %dma_wait3A_461] : memref<819200x128xf32, #tpu.memory_space<hbm>> -> memref<80x128xf32, #tpu.memory_space<hbm>>
        %dma_wait3A_463 = arith.constant 0 : i32
        %dma_wait3A_464 = tpu.memref_slice %arg4[%add3A_455, %dma_wait3A_463] : memref<819200x128xf32, #tpu.memory_space<hbm>> -> memref<80x128xf32, #tpu.memory_space<hbm>>
        %dma_wait3A_465 = arith.constant 0 : i32
        %dma_wait3A_466 = arith.constant 0 : i32
        %dma_wait3A_467 = tpu.memref_slice %arg6[%dma_wait3A_456, %dma_wait3A_465, %dma_wait3A_466] : memref<8x80x128xf32, #tpu.memory_space<vmem>> -> memref<1x80x128xf32, #tpu.memory_space<vmem>>
        %dma_wait3A_468 = tpu.memref_squeeze %dma_wait3A_467 : memref<1x80x128xf32, #tpu.memory_space<vmem>> -> memref<80x128xf32, #tpu.memory_space<vmem>>
        tpu.wait_dma2 semaphore(%arg21 : memref<!tpu.dma_semaphore, #tpu.memory_space<semaphore_mem>>) src(%dma_wait3A_468 : memref<80x128xf32, #tpu.memory_space<vmem>>) dst(%dma_wait3A_464 : memref<80x128xf32, #tpu.memory_space<hbm>>)
      } else {
      }
      %add3A_118 = arith.constant 6 : i32
      %add3A_119 = arith.addi %add3A_115, %add3A_118 : i32
      %lt3A = arith.constant 320 : i32
      %lt3A_120 = arith.cmpi slt, %add3A_119, %lt3A : i32
      %convert_element_type3A_121 = arith.extui %lt3A_120 : i1 to i32
      %cond3A_122 = arith.constant 0 : i32
      %cond3A_123 = arith.cmpi ne, %convert_element_type3A_121, %cond3A_122 : i32
      scf.if %cond3A_123 {
        %add3A_452 = arith.constant 6 : i32
        %add3A_453 = arith.addi %add3A_115, %add3A_452 : i32
        %dma_start3A_454 = arith.constant 6 : i32
        %dma_start3A_455 = arith.constant 0 : i32
        %dma_start3A_456 = arith.constant 0 : i32
        %dma_start3A_457 = tpu.memref_slice %arg6[%dma_start3A_454, %dma_start3A_455, %dma_start3A_456] : memref<8x80x128xf32, #tpu.memory_space<vmem>> -> memref<1x80x128xf32, #tpu.memory_space<vmem>>
        %dma_start3A_458 = tpu.memref_squeeze %dma_start3A_457 : memref<1x80x128xf32, #tpu.memory_space<vmem>> -> memref<80x128xf32, #tpu.memory_space<vmem>>
        %dma_start3A_459 = arith.constant 0 : i32
        %dma_start3A_460 = tpu.memref_slice %arg5[%add3A_453, %dma_start3A_459] : memref<320x80xi32, #tpu.memory_space<vmem>> -> memref<1x80xi32, #tpu.memory_space<vmem>>
        %dma_start3A_461 = tpu.memref_squeeze %dma_start3A_460 : memref<1x80xi32, #tpu.memory_space<vmem>> -> memref<80xi32, #tpu.memory_space<vmem>>
        %dma_start3A_462 = arith.constant 0 : i32
        %dma_start3A_463 = arith.constant 0 : i32
        %dma_start3A_464 = tpu.memref_slice %arg3[%dma_start3A_462, %dma_start3A_463] : memref<100000x128xf32, #tpu.memory_space<hbm>> -> memref<100000x128xf32, #tpu.memory_space<hbm>>
        tpu.enqueue_indirect_dma source(%dma_start3A_464 : memref<100000x128xf32, #tpu.memory_space<hbm>>) target(%dma_start3A_458 : memref<80x128xf32, #tpu.memory_space<vmem>>) offsets(%dma_start3A_461 : memref<80xi32, #tpu.memory_space<vmem>>) semaphore(%arg13 : memref<!tpu.dma_semaphore, #tpu.memory_space<semaphore_mem>>)
      } else {
      }
      %dma_wait3A_124 = arith.constant 0 : i32
      %dma_wait3A_125 = arith.constant 0 : i32
      %dma_wait3A_126 = arith.constant 0 : i32
      %dma_wait3A_127 = tpu.memref_slice %arg6[%dma_wait3A_124, %dma_wait3A_125, %dma_wait3A_126] : memref<8x80x128xf32, #tpu.memory_space<vmem>> -> memref<1x80x128xf32, #tpu.memory_space<vmem>>
      %dma_wait3A_128 = tpu.memref_squeeze %dma_wait3A_127 : memref<1x80x128xf32, #tpu.memory_space<vmem>> -> memref<80x128xf32, #tpu.memory_space<vmem>>
      %dma_wait3A_129 = arith.constant 0 : i32
      %dma_wait3A_130 = tpu.memref_slice %arg5[%add3A_115, %dma_wait3A_129] : memref<320x80xi32, #tpu.memory_space<vmem>> -> memref<1x80xi32, #tpu.memory_space<vmem>>
      %dma_wait3A_131 = tpu.memref_squeeze %dma_wait3A_130 : memref<1x80xi32, #tpu.memory_space<vmem>> -> memref<80xi32, #tpu.memory_space<vmem>>
      %dma_wait3A_132 = arith.constant 0 : i32
      %dma_wait3A_133 = arith.constant 0 : i32
      %dma_wait3A_134 = tpu.memref_slice %arg3[%dma_wait3A_132, %dma_wait3A_133] : memref<100000x128xf32, #tpu.memory_space<hbm>> -> memref<100000x128xf32, #tpu.memory_space<hbm>>
      tpu.wait_indirect_dma semaphore(%arg7 : memref<!tpu.dma_semaphore, #tpu.memory_space<semaphore_mem>>) src(%dma_wait3A_134 : memref<100000x128xf32, #tpu.memory_space<hbm>>) dst(%dma_wait3A_128 : memref<80x128xf32, #tpu.memory_space<vmem>>)
      %mul3A_135 = arith.constant 80 : i32
      %mul3A_136 = arith.muli %add3A_115, %mul3A_135 : i32
      %add3A_137 = arith.addi %mul3A_2, %mul3A_136 : i32
      %dma_start3A_138 = arith.constant 0 : i32
      %dma_start3A_139 = arith.constant 0 : i32
      %dma_start3A_140 = arith.constant 0 : i32
      %dma_start3A_141 = tpu.memref_slice %arg6[%dma_start3A_138, %dma_start3A_139, %dma_start3A_140] : memref<8x80x128xf32, #tpu.memory_space<vmem>> -> memref<1x80x128xf32, #tpu.memory_space<vmem>>
      %dma_start3A_142 = tpu.memref_squeeze %dma_start3A_141 : memref<1x80x128xf32, #tpu.memory_space<vmem>> -> memref<80x128xf32, #tpu.memory_space<vmem>>
      %dma_start3A_143 = arith.constant 0 : i32
      %dma_start3A_144 = tpu.memref_slice %arg4[%add3A_137, %dma_start3A_143] : memref<819200x128xf32, #tpu.memory_space<hbm>> -> memref<80x128xf32, #tpu.memory_space<hbm>>
      %dma_start3A_145 = arith.constant 0 : i32
      %dma_start3A_146 = tpu.memref_slice %arg4[%add3A_137, %dma_start3A_145] : memref<819200x128xf32, #tpu.memory_space<hbm>> -> memref<80x128xf32, #tpu.memory_space<hbm>>
      %dma_start3A_147 = arith.constant 0 : i32
      %dma_start3A_148 = arith.constant 0 : i32
      %dma_start3A_149 = tpu.memref_slice %arg6[%dma_start3A_138, %dma_start3A_147, %dma_start3A_148] : memref<8x80x128xf32, #tpu.memory_space<vmem>> -> memref<1x80x128xf32, #tpu.memory_space<vmem>>
      %dma_start3A_150 = tpu.memref_squeeze %dma_start3A_149 : memref<1x80x128xf32, #tpu.memory_space<vmem>> -> memref<80x128xf32, #tpu.memory_space<vmem>>
      tpu.enqueue_dma source(%dma_start3A_150 : memref<80x128xf32, #tpu.memory_space<vmem>>) target(%dma_start3A_146 : memref<80x128xf32, #tpu.memory_space<hbm>>) target_semaphore(%arg15 : memref<!tpu.dma_semaphore, #tpu.memory_space<semaphore_mem>>)
      %mul3A_151 = arith.constant 8 : i32
      %mul3A_152 = arith.muli %add3A_111, %mul3A_151 : i32
      %add3A_153 = arith.constant 1 : i32
      %add3A_154 = arith.addi %mul3A_152, %add3A_153 : i32
      %ge3A_155 = arith.constant 2 : i32
      %ge3A_156 = arith.cmpi sge, %add3A_154, %ge3A_155 : i32
      %convert_element_type3A_157 = arith.extui %ge3A_156 : i1 to i32
      %cond3A_158 = arith.constant 0 : i32
      %cond3A_159 = arith.cmpi ne, %convert_element_type3A_157, %cond3A_158 : i32
      scf.if %cond3A_159 {
        %sub3A = arith.constant 2 : i32
        %sub3A_452 = arith.subi %add3A_154, %sub3A : i32
        %mul3A_453 = arith.constant 80 : i32
        %mul3A_454 = arith.muli %sub3A_452, %mul3A_453 : i32
        %add3A_455 = arith.addi %mul3A_2, %mul3A_454 : i32
        %dma_wait3A_456 = arith.constant 7 : i32
        %dma_wait3A_457 = arith.constant 0 : i32
        %dma_wait3A_458 = arith.constant 0 : i32
        %dma_wait3A_459 = tpu.memref_slice %arg6[%dma_wait3A_456, %dma_wait3A_457, %dma_wait3A_458] : memref<8x80x128xf32, #tpu.memory_space<vmem>> -> memref<1x80x128xf32, #tpu.memory_space<vmem>>
        %dma_wait3A_460 = tpu.memref_squeeze %dma_wait3A_459 : memref<1x80x128xf32, #tpu.memory_space<vmem>> -> memref<80x128xf32, #tpu.memory_space<vmem>>
        %dma_wait3A_461 = arith.constant 0 : i32
        %dma_wait3A_462 = tpu.memref_slice %arg4[%add3A_455, %dma_wait3A_461] : memref<819200x128xf32, #tpu.memory_space<hbm>> -> memref<80x128xf32, #tpu.memory_space<hbm>>
        %dma_wait3A_463 = arith.constant 0 : i32
        %dma_wait3A_464 = tpu.memref_slice %arg4[%add3A_455, %dma_wait3A_463] : memref<819200x128xf32, #tpu.memory_space<hbm>> -> memref<80x128xf32, #tpu.memory_space<hbm>>
        %dma_wait3A_465 = arith.constant 0 : i32
        %dma_wait3A_466 = arith.constant 0 : i32
        %dma_wait3A_467 = tpu.memref_slice %arg6[%dma_wait3A_456, %dma_wait3A_465, %dma_wait3A_466] : memref<8x80x128xf32, #tpu.memory_space<vmem>> -> memref<1x80x128xf32, #tpu.memory_space<vmem>>
        %dma_wait3A_468 = tpu.memref_squeeze %dma_wait3A_467 : memref<1x80x128xf32, #tpu.memory_space<vmem>> -> memref<80x128xf32, #tpu.memory_space<vmem>>
        tpu.wait_dma2 semaphore(%arg22 : memref<!tpu.dma_semaphore, #tpu.memory_space<semaphore_mem>>) src(%dma_wait3A_468 : memref<80x128xf32, #tpu.memory_space<vmem>>) dst(%dma_wait3A_464 : memref<80x128xf32, #tpu.memory_space<hbm>>)
      } else {
      }
      %add3A_160 = arith.constant 6 : i32
      %add3A_161 = arith.addi %add3A_154, %add3A_160 : i32
      %lt3A_162 = arith.constant 320 : i32
      %lt3A_163 = arith.cmpi slt, %add3A_161, %lt3A_162 : i32
      %convert_element_type3A_164 = arith.extui %lt3A_163 : i1 to i32
      %cond3A_165 = arith.constant 0 : i32
      %cond3A_166 = arith.cmpi ne, %convert_element_type3A_164, %cond3A_165 : i32
      scf.if %cond3A_166 {
        %add3A_452 = arith.constant 6 : i32
        %add3A_453 = arith.addi %add3A_154, %add3A_452 : i32
        %dma_start3A_454 = arith.constant 7 : i32
        %dma_start3A_455 = arith.constant 0 : i32
        %dma_start3A_456 = arith.constant 0 : i32
        %dma_start3A_457 = tpu.memref_slice %arg6[%dma_start3A_454, %dma_start3A_455, %dma_start3A_456] : memref<8x80x128xf32, #tpu.memory_space<vmem>> -> memref<1x80x128xf32, #tpu.memory_space<vmem>>
        %dma_start3A_458 = tpu.memref_squeeze %dma_start3A_457 : memref<1x80x128xf32, #tpu.memory_space<vmem>> -> memref<80x128xf32, #tpu.memory_space<vmem>>
        %dma_start3A_459 = arith.constant 0 : i32
        %dma_start3A_460 = tpu.memref_slice %arg5[%add3A_453, %dma_start3A_459] : memref<320x80xi32, #tpu.memory_space<vmem>> -> memref<1x80xi32, #tpu.memory_space<vmem>>
        %dma_start3A_461 = tpu.memref_squeeze %dma_start3A_460 : memref<1x80xi32, #tpu.memory_space<vmem>> -> memref<80xi32, #tpu.memory_space<vmem>>
        %dma_start3A_462 = arith.constant 0 : i32
        %dma_start3A_463 = arith.constant 0 : i32
        %dma_start3A_464 = tpu.memref_slice %arg3[%dma_start3A_462, %dma_start3A_463] : memref<100000x128xf32, #tpu.memory_space<hbm>> -> memref<100000x128xf32, #tpu.memory_space<hbm>>
        tpu.enqueue_indirect_dma source(%dma_start3A_464 : memref<100000x128xf32, #tpu.memory_space<hbm>>) target(%dma_start3A_458 : memref<80x128xf32, #tpu.memory_space<vmem>>) offsets(%dma_start3A_461 : memref<80xi32, #tpu.memory_space<vmem>>) semaphore(%arg14 : memref<!tpu.dma_semaphore, #tpu.memory_space<semaphore_mem>>)
      } else {
      }
      %dma_wait3A_167 = arith.constant 1 : i32
      %dma_wait3A_168 = arith.constant 0 : i32
      %dma_wait3A_169 = arith.constant 0 : i32
      %dma_wait3A_170 = tpu.memref_slice %arg6[%dma_wait3A_167, %dma_wait3A_168, %dma_wait3A_169] : memref<8x80x128xf32, #tpu.memory_space<vmem>> -> memref<1x80x128xf32, #tpu.memory_space<vmem>>
      %dma_wait3A_171 = tpu.memref_squeeze %dma_wait3A_170 : memref<1x80x128xf32, #tpu.memory_space<vmem>> -> memref<80x128xf32, #tpu.memory_space<vmem>>
      %dma_wait3A_172 = arith.constant 0 : i32
      %dma_wait3A_173 = tpu.memref_slice %arg5[%add3A_154, %dma_wait3A_172] : memref<320x80xi32, #tpu.memory_space<vmem>> -> memref<1x80xi32, #tpu.memory_space<vmem>>
      %dma_wait3A_174 = tpu.memref_squeeze %dma_wait3A_173 : memref<1x80xi32, #tpu.memory_space<vmem>> -> memref<80xi32, #tpu.memory_space<vmem>>
      %dma_wait3A_175 = arith.constant 0 : i32
      %dma_wait3A_176 = arith.constant 0 : i32
      %dma_wait3A_177 = tpu.memref_slice %arg3[%dma_wait3A_175, %dma_wait3A_176] : memref<100000x128xf32, #tpu.memory_space<hbm>> -> memref<100000x128xf32, #tpu.memory_space<hbm>>
      tpu.wait_indirect_dma semaphore(%arg8 : memref<!tpu.dma_semaphore, #tpu.memory_space<semaphore_mem>>) src(%dma_wait3A_177 : memref<100000x128xf32, #tpu.memory_space<hbm>>) dst(%dma_wait3A_171 : memref<80x128xf32, #tpu.memory_space<vmem>>)
      %mul3A_178 = arith.constant 80 : i32
      %mul3A_179 = arith.muli %add3A_154, %mul3A_178 : i32
      %add3A_180 = arith.addi %mul3A_2, %mul3A_179 : i32
      %dma_start3A_181 = arith.constant 1 : i32
      %dma_start3A_182 = arith.constant 0 : i32
      %dma_start3A_183 = arith.constant 0 : i32
      %dma_start3A_184 = tpu.memref_slice %arg6[%dma_start3A_181, %dma_start3A_182, %dma_start3A_183] : memref<8x80x128xf32, #tpu.memory_space<vmem>> -> memref<1x80x128xf32, #tpu.memory_space<vmem>>
      %dma_start3A_185 = tpu.memref_squeeze %dma_start3A_184 : memref<1x80x128xf32, #tpu.memory_space<vmem>> -> memref<80x128xf32, #tpu.memory_space<vmem>>
      %dma_start3A_186 = arith.constant 0 : i32
      %dma_start3A_187 = tpu.memref_slice %arg4[%add3A_180, %dma_start3A_186] : memref<819200x128xf32, #tpu.memory_space<hbm>> -> memref<80x128xf32, #tpu.memory_space<hbm>>
      %dma_start3A_188 = arith.constant 0 : i32
      %dma_start3A_189 = tpu.memref_slice %arg4[%add3A_180, %dma_start3A_188] : memref<819200x128xf32, #tpu.memory_space<hbm>> -> memref<80x128xf32, #tpu.memory_space<hbm>>
      %dma_start3A_190 = arith.constant 0 : i32
      %dma_start3A_191 = arith.constant 0 : i32
      %dma_start3A_192 = tpu.memref_slice %arg6[%dma_start3A_181, %dma_start3A_190, %dma_start3A_191] : memref<8x80x128xf32, #tpu.memory_space<vmem>> -> memref<1x80x128xf32, #tpu.memory_space<vmem>>
      %dma_start3A_193 = tpu.memref_squeeze %dma_start3A_192 : memref<1x80x128xf32, #tpu.memory_space<vmem>> -> memref<80x128xf32, #tpu.memory_space<vmem>>
      tpu.enqueue_dma source(%dma_start3A_193 : memref<80x128xf32, #tpu.memory_space<vmem>>) target(%dma_start3A_189 : memref<80x128xf32, #tpu.memory_space<hbm>>) target_semaphore(%arg16 : memref<!tpu.dma_semaphore, #tpu.memory_space<semaphore_mem>>)
      %mul3A_194 = arith.constant 8 : i32
      %mul3A_195 = arith.muli %add3A_111, %mul3A_194 : i32
      %add3A_196 = arith.constant 2 : i32
      %add3A_197 = arith.addi %mul3A_195, %add3A_196 : i32
      %ge3A_198 = arith.constant 2 : i32
      %ge3A_199 = arith.cmpi sge, %add3A_197, %ge3A_198 : i32
      %convert_element_type3A_200 = arith.extui %ge3A_199 : i1 to i32
      %cond3A_201 = arith.constant 0 : i32
      %cond3A_202 = arith.cmpi ne, %convert_element_type3A_200, %cond3A_201 : i32
      scf.if %cond3A_202 {
        %sub3A = arith.constant 2 : i32
        %sub3A_452 = arith.subi %add3A_197, %sub3A : i32
        %mul3A_453 = arith.constant 80 : i32
        %mul3A_454 = arith.muli %sub3A_452, %mul3A_453 : i32
        %add3A_455 = arith.addi %mul3A_2, %mul3A_454 : i32
        %dma_wait3A_456 = arith.constant 0 : i32
        %dma_wait3A_457 = arith.constant 0 : i32
        %dma_wait3A_458 = arith.constant 0 : i32
        %dma_wait3A_459 = tpu.memref_slice %arg6[%dma_wait3A_456, %dma_wait3A_457, %dma_wait3A_458] : memref<8x80x128xf32, #tpu.memory_space<vmem>> -> memref<1x80x128xf32, #tpu.memory_space<vmem>>
        %dma_wait3A_460 = tpu.memref_squeeze %dma_wait3A_459 : memref<1x80x128xf32, #tpu.memory_space<vmem>> -> memref<80x128xf32, #tpu.memory_space<vmem>>
        %dma_wait3A_461 = arith.constant 0 : i32
        %dma_wait3A_462 = tpu.memref_slice %arg4[%add3A_455, %dma_wait3A_461] : memref<819200x128xf32, #tpu.memory_space<hbm>> -> memref<80x128xf32, #tpu.memory_space<hbm>>
        %dma_wait3A_463 = arith.constant 0 : i32
        %dma_wait3A_464 = tpu.memref_slice %arg4[%add3A_455, %dma_wait3A_463] : memref<819200x128xf32, #tpu.memory_space<hbm>> -> memref<80x128xf32, #tpu.memory_space<hbm>>
        %dma_wait3A_465 = arith.constant 0 : i32
        %dma_wait3A_466 = arith.constant 0 : i32
        %dma_wait3A_467 = tpu.memref_slice %arg6[%dma_wait3A_456, %dma_wait3A_465, %dma_wait3A_466] : memref<8x80x128xf32, #tpu.memory_space<vmem>> -> memref<1x80x128xf32, #tpu.memory_space<vmem>>
        %dma_wait3A_468 = tpu.memref_squeeze %dma_wait3A_467 : memref<1x80x128xf32, #tpu.memory_space<vmem>> -> memref<80x128xf32, #tpu.memory_space<vmem>>
        tpu.wait_dma2 semaphore(%arg15 : memref<!tpu.dma_semaphore, #tpu.memory_space<semaphore_mem>>) src(%dma_wait3A_468 : memref<80x128xf32, #tpu.memory_space<vmem>>) dst(%dma_wait3A_464 : memref<80x128xf32, #tpu.memory_space<hbm>>)
      } else {
      }
      %add3A_203 = arith.constant 6 : i32
      %add3A_204 = arith.addi %add3A_197, %add3A_203 : i32
      %lt3A_205 = arith.constant 320 : i32
      %lt3A_206 = arith.cmpi slt, %add3A_204, %lt3A_205 : i32
      %convert_element_type3A_207 = arith.extui %lt3A_206 : i1 to i32
      %cond3A_208 = arith.constant 0 : i32
      %cond3A_209 = arith.cmpi ne, %convert_element_type3A_207, %cond3A_208 : i32
      scf.if %cond3A_209 {
        %add3A_452 = arith.constant 6 : i32
        %add3A_453 = arith.addi %add3A_197, %add3A_452 : i32
        %dma_start3A_454 = arith.constant 0 : i32
        %dma_start3A_455 = arith.constant 0 : i32
        %dma_start3A_456 = arith.constant 0 : i32
        %dma_start3A_457 = tpu.memref_slice %arg6[%dma_start3A_454, %dma_start3A_455, %dma_start3A_456] : memref<8x80x128xf32, #tpu.memory_space<vmem>> -> memref<1x80x128xf32, #tpu.memory_space<vmem>>
        %dma_start3A_458 = tpu.memref_squeeze %dma_start3A_457 : memref<1x80x128xf32, #tpu.memory_space<vmem>> -> memref<80x128xf32, #tpu.memory_space<vmem>>
        %dma_start3A_459 = arith.constant 0 : i32
        %dma_start3A_460 = tpu.memref_slice %arg5[%add3A_453, %dma_start3A_459] : memref<320x80xi32, #tpu.memory_space<vmem>> -> memref<1x80xi32, #tpu.memory_space<vmem>>
        %dma_start3A_461 = tpu.memref_squeeze %dma_start3A_460 : memref<1x80xi32, #tpu.memory_space<vmem>> -> memref<80xi32, #tpu.memory_space<vmem>>
        %dma_start3A_462 = arith.constant 0 : i32
        %dma_start3A_463 = arith.constant 0 : i32
        %dma_start3A_464 = tpu.memref_slice %arg3[%dma_start3A_462, %dma_start3A_463] : memref<100000x128xf32, #tpu.memory_space<hbm>> -> memref<100000x128xf32, #tpu.memory_space<hbm>>
        tpu.enqueue_indirect_dma source(%dma_start3A_464 : memref<100000x128xf32, #tpu.memory_space<hbm>>) target(%dma_start3A_458 : memref<80x128xf32, #tpu.memory_space<vmem>>) offsets(%dma_start3A_461 : memref<80xi32, #tpu.memory_space<vmem>>) semaphore(%arg7 : memref<!tpu.dma_semaphore, #tpu.memory_space<semaphore_mem>>)
      } else {
      }
      %dma_wait3A_210 = arith.constant 2 : i32
      %dma_wait3A_211 = arith.constant 0 : i32
      %dma_wait3A_212 = arith.constant 0 : i32
      %dma_wait3A_213 = tpu.memref_slice %arg6[%dma_wait3A_210, %dma_wait3A_211, %dma_wait3A_212] : memref<8x80x128xf32, #tpu.memory_space<vmem>> -> memref<1x80x128xf32, #tpu.memory_space<vmem>>
      %dma_wait3A_214 = tpu.memref_squeeze %dma_wait3A_213 : memref<1x80x128xf32, #tpu.memory_space<vmem>> -> memref<80x128xf32, #tpu.memory_space<vmem>>
      %dma_wait3A_215 = arith.constant 0 : i32
      %dma_wait3A_216 = tpu.memref_slice %arg5[%add3A_197, %dma_wait3A_215] : memref<320x80xi32, #tpu.memory_space<vmem>> -> memref<1x80xi32, #tpu.memory_space<vmem>>
      %dma_wait3A_217 = tpu.memref_squeeze %dma_wait3A_216 : memref<1x80xi32, #tpu.memory_space<vmem>> -> memref<80xi32, #tpu.memory_space<vmem>>
      %dma_wait3A_218 = arith.constant 0 : i32
      %dma_wait3A_219 = arith.constant 0 : i32
      %dma_wait3A_220 = tpu.memref_slice %arg3[%dma_wait3A_218, %dma_wait3A_219] : memref<100000x128xf32, #tpu.memory_space<hbm>> -> memref<100000x128xf32, #tpu.memory_space<hbm>>
      tpu.wait_indirect_dma semaphore(%arg9 : memref<!tpu.dma_semaphore, #tpu.memory_space<semaphore_mem>>) src(%dma_wait3A_220 : memref<100000x128xf32, #tpu.memory_space<hbm>>) dst(%dma_wait3A_214 : memref<80x128xf32, #tpu.memory_space<vmem>>)
      %mul3A_221 = arith.constant 80 : i32
      %mul3A_222 = arith.muli %add3A_197, %mul3A_221 : i32
      %add3A_223 = arith.addi %mul3A_2, %mul3A_222 : i32
      %dma_start3A_224 = arith.constant 2 : i32
      %dma_start3A_225 = arith.constant 0 : i32
      %dma_start3A_226 = arith.constant 0 : i32
      %dma_start3A_227 = tpu.memref_slice %arg6[%dma_start3A_224, %dma_start3A_225, %dma_start3A_226] : memref<8x80x128xf32, #tpu.memory_space<vmem>> -> memref<1x80x128xf32, #tpu.memory_space<vmem>>
      %dma_start3A_228 = tpu.memref_squeeze %dma_start3A_227 : memref<1x80x128xf32, #tpu.memory_space<vmem>> -> memref<80x128xf32, #tpu.memory_space<vmem>>
      %dma_start3A_229 = arith.constant 0 : i32
      %dma_start3A_230 = tpu.memref_slice %arg4[%add3A_223, %dma_start3A_229] : memref<819200x128xf32, #tpu.memory_space<hbm>> -> memref<80x128xf32, #tpu.memory_space<hbm>>
      %dma_start3A_231 = arith.constant 0 : i32
      %dma_start3A_232 = tpu.memref_slice %arg4[%add3A_223, %dma_start3A_231] : memref<819200x128xf32, #tpu.memory_space<hbm>> -> memref<80x128xf32, #tpu.memory_space<hbm>>
      %dma_start3A_233 = arith.constant 0 : i32
      %dma_start3A_234 = arith.constant 0 : i32
      %dma_start3A_235 = tpu.memref_slice %arg6[%dma_start3A_224, %dma_start3A_233, %dma_start3A_234] : memref<8x80x128xf32, #tpu.memory_space<vmem>> -> memref<1x80x128xf32, #tpu.memory_space<vmem>>
      %dma_start3A_236 = tpu.memref_squeeze %dma_start3A_235 : memref<1x80x128xf32, #tpu.memory_space<vmem>> -> memref<80x128xf32, #tpu.memory_space<vmem>>
      tpu.enqueue_dma source(%dma_start3A_236 : memref<80x128xf32, #tpu.memory_space<vmem>>) target(%dma_start3A_232 : memref<80x128xf32, #tpu.memory_space<hbm>>) target_semaphore(%arg17 : memref<!tpu.dma_semaphore, #tpu.memory_space<semaphore_mem>>)
      %mul3A_237 = arith.constant 8 : i32
      %mul3A_238 = arith.muli %add3A_111, %mul3A_237 : i32
      %add3A_239 = arith.constant 3 : i32
      %add3A_240 = arith.addi %mul3A_238, %add3A_239 : i32
      %ge3A_241 = arith.constant 2 : i32
      %ge3A_242 = arith.cmpi sge, %add3A_240, %ge3A_241 : i32
      %convert_element_type3A_243 = arith.extui %ge3A_242 : i1 to i32
      %cond3A_244 = arith.constant 0 : i32
      %cond3A_245 = arith.cmpi ne, %convert_element_type3A_243, %cond3A_244 : i32
      scf.if %cond3A_245 {
        %sub3A = arith.constant 2 : i32
        %sub3A_452 = arith.subi %add3A_240, %sub3A : i32
        %mul3A_453 = arith.constant 80 : i32
        %mul3A_454 = arith.muli %sub3A_452, %mul3A_453 : i32
        %add3A_455 = arith.addi %mul3A_2, %mul3A_454 : i32
        %dma_wait3A_456 = arith.constant 1 : i32
        %dma_wait3A_457 = arith.constant 0 : i32
        %dma_wait3A_458 = arith.constant 0 : i32
        %dma_wait3A_459 = tpu.memref_slice %arg6[%dma_wait3A_456, %dma_wait3A_457, %dma_wait3A_458] : memref<8x80x128xf32, #tpu.memory_space<vmem>> -> memref<1x80x128xf32, #tpu.memory_space<vmem>>
        %dma_wait3A_460 = tpu.memref_squeeze %dma_wait3A_459 : memref<1x80x128xf32, #tpu.memory_space<vmem>> -> memref<80x128xf32, #tpu.memory_space<vmem>>
        %dma_wait3A_461 = arith.constant 0 : i32
        %dma_wait3A_462 = tpu.memref_slice %arg4[%add3A_455, %dma_wait3A_461] : memref<819200x128xf32, #tpu.memory_space<hbm>> -> memref<80x128xf32, #tpu.memory_space<hbm>>
        %dma_wait3A_463 = arith.constant 0 : i32
        %dma_wait3A_464 = tpu.memref_slice %arg4[%add3A_455, %dma_wait3A_463] : memref<819200x128xf32, #tpu.memory_space<hbm>> -> memref<80x128xf32, #tpu.memory_space<hbm>>
        %dma_wait3A_465 = arith.constant 0 : i32
        %dma_wait3A_466 = arith.constant 0 : i32
        %dma_wait3A_467 = tpu.memref_slice %arg6[%dma_wait3A_456, %dma_wait3A_465, %dma_wait3A_466] : memref<8x80x128xf32, #tpu.memory_space<vmem>> -> memref<1x80x128xf32, #tpu.memory_space<vmem>>
        %dma_wait3A_468 = tpu.memref_squeeze %dma_wait3A_467 : memref<1x80x128xf32, #tpu.memory_space<vmem>> -> memref<80x128xf32, #tpu.memory_space<vmem>>
        tpu.wait_dma2 semaphore(%arg16 : memref<!tpu.dma_semaphore, #tpu.memory_space<semaphore_mem>>) src(%dma_wait3A_468 : memref<80x128xf32, #tpu.memory_space<vmem>>) dst(%dma_wait3A_464 : memref<80x128xf32, #tpu.memory_space<hbm>>)
      } else {
      }
      %add3A_246 = arith.constant 6 : i32
      %add3A_247 = arith.addi %add3A_240, %add3A_246 : i32
      %lt3A_248 = arith.constant 320 : i32
      %lt3A_249 = arith.cmpi slt, %add3A_247, %lt3A_248 : i32
      %convert_element_type3A_250 = arith.extui %lt3A_249 : i1 to i32
      %cond3A_251 = arith.constant 0 : i32
      %cond3A_252 = arith.cmpi ne, %convert_element_type3A_250, %cond3A_251 : i32
      scf.if %cond3A_252 {
        %add3A_452 = arith.constant 6 : i32
        %add3A_453 = arith.addi %add3A_240, %add3A_452 : i32
        %dma_start3A_454 = arith.constant 1 : i32
        %dma_start3A_455 = arith.constant 0 : i32
        %dma_start3A_456 = arith.constant 0 : i32
        %dma_start3A_457 = tpu.memref_slice %arg6[%dma_start3A_454, %dma_start3A_455, %dma_start3A_456] : memref<8x80x128xf32, #tpu.memory_space<vmem>> -> memref<1x80x128xf32, #tpu.memory_space<vmem>>
        %dma_start3A_458 = tpu.memref_squeeze %dma_start3A_457 : memref<1x80x128xf32, #tpu.memory_space<vmem>> -> memref<80x128xf32, #tpu.memory_space<vmem>>
        %dma_start3A_459 = arith.constant 0 : i32
        %dma_start3A_460 = tpu.memref_slice %arg5[%add3A_453, %dma_start3A_459] : memref<320x80xi32, #tpu.memory_space<vmem>> -> memref<1x80xi32, #tpu.memory_space<vmem>>
        %dma_start3A_461 = tpu.memref_squeeze %dma_start3A_460 : memref<1x80xi32, #tpu.memory_space<vmem>> -> memref<80xi32, #tpu.memory_space<vmem>>
        %dma_start3A_462 = arith.constant 0 : i32
        %dma_start3A_463 = arith.constant 0 : i32
        %dma_start3A_464 = tpu.memref_slice %arg3[%dma_start3A_462, %dma_start3A_463] : memref<100000x128xf32, #tpu.memory_space<hbm>> -> memref<100000x128xf32, #tpu.memory_space<hbm>>
        tpu.enqueue_indirect_dma source(%dma_start3A_464 : memref<100000x128xf32, #tpu.memory_space<hbm>>) target(%dma_start3A_458 : memref<80x128xf32, #tpu.memory_space<vmem>>) offsets(%dma_start3A_461 : memref<80xi32, #tpu.memory_space<vmem>>) semaphore(%arg8 : memref<!tpu.dma_semaphore, #tpu.memory_space<semaphore_mem>>)
      } else {
      }
      %dma_wait3A_253 = arith.constant 3 : i32
      %dma_wait3A_254 = arith.constant 0 : i32
      %dma_wait3A_255 = arith.constant 0 : i32
      %dma_wait3A_256 = tpu.memref_slice %arg6[%dma_wait3A_253, %dma_wait3A_254, %dma_wait3A_255] : memref<8x80x128xf32, #tpu.memory_space<vmem>> -> memref<1x80x128xf32, #tpu.memory_space<vmem>>
      %dma_wait3A_257 = tpu.memref_squeeze %dma_wait3A_256 : memref<1x80x128xf32, #tpu.memory_space<vmem>> -> memref<80x128xf32, #tpu.memory_space<vmem>>
      %dma_wait3A_258 = arith.constant 0 : i32
      %dma_wait3A_259 = tpu.memref_slice %arg5[%add3A_240, %dma_wait3A_258] : memref<320x80xi32, #tpu.memory_space<vmem>> -> memref<1x80xi32, #tpu.memory_space<vmem>>
      %dma_wait3A_260 = tpu.memref_squeeze %dma_wait3A_259 : memref<1x80xi32, #tpu.memory_space<vmem>> -> memref<80xi32, #tpu.memory_space<vmem>>
      %dma_wait3A_261 = arith.constant 0 : i32
      %dma_wait3A_262 = arith.constant 0 : i32
      %dma_wait3A_263 = tpu.memref_slice %arg3[%dma_wait3A_261, %dma_wait3A_262] : memref<100000x128xf32, #tpu.memory_space<hbm>> -> memref<100000x128xf32, #tpu.memory_space<hbm>>
      tpu.wait_indirect_dma semaphore(%arg10 : memref<!tpu.dma_semaphore, #tpu.memory_space<semaphore_mem>>) src(%dma_wait3A_263 : memref<100000x128xf32, #tpu.memory_space<hbm>>) dst(%dma_wait3A_257 : memref<80x128xf32, #tpu.memory_space<vmem>>)
      %mul3A_264 = arith.constant 80 : i32
      %mul3A_265 = arith.muli %add3A_240, %mul3A_264 : i32
      %add3A_266 = arith.addi %mul3A_2, %mul3A_265 : i32
      %dma_start3A_267 = arith.constant 3 : i32
      %dma_start3A_268 = arith.constant 0 : i32
      %dma_start3A_269 = arith.constant 0 : i32
      %dma_start3A_270 = tpu.memref_slice %arg6[%dma_start3A_267, %dma_start3A_268, %dma_start3A_269] : memref<8x80x128xf32, #tpu.memory_space<vmem>> -> memref<1x80x128xf32, #tpu.memory_space<vmem>>
      %dma_start3A_271 = tpu.memref_squeeze %dma_start3A_270 : memref<1x80x128xf32, #tpu.memory_space<vmem>> -> memref<80x128xf32, #tpu.memory_space<vmem>>
      %dma_start3A_272 = arith.constant 0 : i32
      %dma_start3A_273 = tpu.memref_slice %arg4[%add3A_266, %dma_start3A_272] : memref<819200x128xf32, #tpu.memory_space<hbm>> -> memref<80x128xf32, #tpu.memory_space<hbm>>
      %dma_start3A_274 = arith.constant 0 : i32
      %dma_start3A_275 = tpu.memref_slice %arg4[%add3A_266, %dma_start3A_274] : memref<819200x128xf32, #tpu.memory_space<hbm>> -> memref<80x128xf32, #tpu.memory_space<hbm>>
      %dma_start3A_276 = arith.constant 0 : i32
      %dma_start3A_277 = arith.constant 0 : i32
      %dma_start3A_278 = tpu.memref_slice %arg6[%dma_start3A_267, %dma_start3A_276, %dma_start3A_277] : memref<8x80x128xf32, #tpu.memory_space<vmem>> -> memref<1x80x128xf32, #tpu.memory_space<vmem>>
      %dma_start3A_279 = tpu.memref_squeeze %dma_start3A_278 : memref<1x80x128xf32, #tpu.memory_space<vmem>> -> memref<80x128xf32, #tpu.memory_space<vmem>>
      tpu.enqueue_dma source(%dma_start3A_279 : memref<80x128xf32, #tpu.memory_space<vmem>>) target(%dma_start3A_275 : memref<80x128xf32, #tpu.memory_space<hbm>>) target_semaphore(%arg18 : memref<!tpu.dma_semaphore, #tpu.memory_space<semaphore_mem>>)
      %mul3A_280 = arith.constant 8 : i32
      %mul3A_281 = arith.muli %add3A_111, %mul3A_280 : i32
      %add3A_282 = arith.constant 4 : i32
      %add3A_283 = arith.addi %mul3A_281, %add3A_282 : i32
      %ge3A_284 = arith.constant 2 : i32
      %ge3A_285 = arith.cmpi sge, %add3A_283, %ge3A_284 : i32
      %convert_element_type3A_286 = arith.extui %ge3A_285 : i1 to i32
      %cond3A_287 = arith.constant 0 : i32
      %cond3A_288 = arith.cmpi ne, %convert_element_type3A_286, %cond3A_287 : i32
      scf.if %cond3A_288 {
        %sub3A = arith.constant 2 : i32
        %sub3A_452 = arith.subi %add3A_283, %sub3A : i32
        %mul3A_453 = arith.constant 80 : i32
        %mul3A_454 = arith.muli %sub3A_452, %mul3A_453 : i32
        %add3A_455 = arith.addi %mul3A_2, %mul3A_454 : i32
        %dma_wait3A_456 = arith.constant 2 : i32
        %dma_wait3A_457 = arith.constant 0 : i32
        %dma_wait3A_458 = arith.constant 0 : i32
        %dma_wait3A_459 = tpu.memref_slice %arg6[%dma_wait3A_456, %dma_wait3A_457, %dma_wait3A_458] : memref<8x80x128xf32, #tpu.memory_space<vmem>> -> memref<1x80x128xf32, #tpu.memory_space<vmem>>
        %dma_wait3A_460 = tpu.memref_squeeze %dma_wait3A_459 : memref<1x80x128xf32, #tpu.memory_space<vmem>> -> memref<80x128xf32, #tpu.memory_space<vmem>>
        %dma_wait3A_461 = arith.constant 0 : i32
        %dma_wait3A_462 = tpu.memref_slice %arg4[%add3A_455, %dma_wait3A_461] : memref<819200x128xf32, #tpu.memory_space<hbm>> -> memref<80x128xf32, #tpu.memory_space<hbm>>
        %dma_wait3A_463 = arith.constant 0 : i32
        %dma_wait3A_464 = tpu.memref_slice %arg4[%add3A_455, %dma_wait3A_463] : memref<819200x128xf32, #tpu.memory_space<hbm>> -> memref<80x128xf32, #tpu.memory_space<hbm>>
        %dma_wait3A_465 = arith.constant 0 : i32
        %dma_wait3A_466 = arith.constant 0 : i32
        %dma_wait3A_467 = tpu.memref_slice %arg6[%dma_wait3A_456, %dma_wait3A_465, %dma_wait3A_466] : memref<8x80x128xf32, #tpu.memory_space<vmem>> -> memref<1x80x128xf32, #tpu.memory_space<vmem>>
        %dma_wait3A_468 = tpu.memref_squeeze %dma_wait3A_467 : memref<1x80x128xf32, #tpu.memory_space<vmem>> -> memref<80x128xf32, #tpu.memory_space<vmem>>
        tpu.wait_dma2 semaphore(%arg17 : memref<!tpu.dma_semaphore, #tpu.memory_space<semaphore_mem>>) src(%dma_wait3A_468 : memref<80x128xf32, #tpu.memory_space<vmem>>) dst(%dma_wait3A_464 : memref<80x128xf32, #tpu.memory_space<hbm>>)
      } else {
      }
      %add3A_289 = arith.constant 6 : i32
      %add3A_290 = arith.addi %add3A_283, %add3A_289 : i32
      %lt3A_291 = arith.constant 320 : i32
      %lt3A_292 = arith.cmpi slt, %add3A_290, %lt3A_291 : i32
      %convert_element_type3A_293 = arith.extui %lt3A_292 : i1 to i32
      %cond3A_294 = arith.constant 0 : i32
      %cond3A_295 = arith.cmpi ne, %convert_element_type3A_293, %cond3A_294 : i32
      scf.if %cond3A_295 {
        %add3A_452 = arith.constant 6 : i32
        %add3A_453 = arith.addi %add3A_283, %add3A_452 : i32
        %dma_start3A_454 = arith.constant 2 : i32
        %dma_start3A_455 = arith.constant 0 : i32
        %dma_start3A_456 = arith.constant 0 : i32
        %dma_start3A_457 = tpu.memref_slice %arg6[%dma_start3A_454, %dma_start3A_455, %dma_start3A_456] : memref<8x80x128xf32, #tpu.memory_space<vmem>> -> memref<1x80x128xf32, #tpu.memory_space<vmem>>
        %dma_start3A_458 = tpu.memref_squeeze %dma_start3A_457 : memref<1x80x128xf32, #tpu.memory_space<vmem>> -> memref<80x128xf32, #tpu.memory_space<vmem>>
        %dma_start3A_459 = arith.constant 0 : i32
        %dma_start3A_460 = tpu.memref_slice %arg5[%add3A_453, %dma_start3A_459] : memref<320x80xi32, #tpu.memory_space<vmem>> -> memref<1x80xi32, #tpu.memory_space<vmem>>
        %dma_start3A_461 = tpu.memref_squeeze %dma_start3A_460 : memref<1x80xi32, #tpu.memory_space<vmem>> -> memref<80xi32, #tpu.memory_space<vmem>>
        %dma_start3A_462 = arith.constant 0 : i32
        %dma_start3A_463 = arith.constant 0 : i32
        %dma_start3A_464 = tpu.memref_slice %arg3[%dma_start3A_462, %dma_start3A_463] : memref<100000x128xf32, #tpu.memory_space<hbm>> -> memref<100000x128xf32, #tpu.memory_space<hbm>>
        tpu.enqueue_indirect_dma source(%dma_start3A_464 : memref<100000x128xf32, #tpu.memory_space<hbm>>) target(%dma_start3A_458 : memref<80x128xf32, #tpu.memory_space<vmem>>) offsets(%dma_start3A_461 : memref<80xi32, #tpu.memory_space<vmem>>) semaphore(%arg9 : memref<!tpu.dma_semaphore, #tpu.memory_space<semaphore_mem>>)
      } else {
      }
      %dma_wait3A_296 = arith.constant 4 : i32
      %dma_wait3A_297 = arith.constant 0 : i32
      %dma_wait3A_298 = arith.constant 0 : i32
      %dma_wait3A_299 = tpu.memref_slice %arg6[%dma_wait3A_296, %dma_wait3A_297, %dma_wait3A_298] : memref<8x80x128xf32, #tpu.memory_space<vmem>> -> memref<1x80x128xf32, #tpu.memory_space<vmem>>
      %dma_wait3A_300 = tpu.memref_squeeze %dma_wait3A_299 : memref<1x80x128xf32, #tpu.memory_space<vmem>> -> memref<80x128xf32, #tpu.memory_space<vmem>>
      %dma_wait3A_301 = arith.constant 0 : i32
      %dma_wait3A_302 = tpu.memref_slice %arg5[%add3A_283, %dma_wait3A_301] : memref<320x80xi32, #tpu.memory_space<vmem>> -> memref<1x80xi32, #tpu.memory_space<vmem>>
      %dma_wait3A_303 = tpu.memref_squeeze %dma_wait3A_302 : memref<1x80xi32, #tpu.memory_space<vmem>> -> memref<80xi32, #tpu.memory_space<vmem>>
      %dma_wait3A_304 = arith.constant 0 : i32
      %dma_wait3A_305 = arith.constant 0 : i32
      %dma_wait3A_306 = tpu.memref_slice %arg3[%dma_wait3A_304, %dma_wait3A_305] : memref<100000x128xf32, #tpu.memory_space<hbm>> -> memref<100000x128xf32, #tpu.memory_space<hbm>>
      tpu.wait_indirect_dma semaphore(%arg11 : memref<!tpu.dma_semaphore, #tpu.memory_space<semaphore_mem>>) src(%dma_wait3A_306 : memref<100000x128xf32, #tpu.memory_space<hbm>>) dst(%dma_wait3A_300 : memref<80x128xf32, #tpu.memory_space<vmem>>)
      %mul3A_307 = arith.constant 80 : i32
      %mul3A_308 = arith.muli %add3A_283, %mul3A_307 : i32
      %add3A_309 = arith.addi %mul3A_2, %mul3A_308 : i32
      %dma_start3A_310 = arith.constant 4 : i32
      %dma_start3A_311 = arith.constant 0 : i32
      %dma_start3A_312 = arith.constant 0 : i32
      %dma_start3A_313 = tpu.memref_slice %arg6[%dma_start3A_310, %dma_start3A_311, %dma_start3A_312] : memref<8x80x128xf32, #tpu.memory_space<vmem>> -> memref<1x80x128xf32, #tpu.memory_space<vmem>>
      %dma_start3A_314 = tpu.memref_squeeze %dma_start3A_313 : memref<1x80x128xf32, #tpu.memory_space<vmem>> -> memref<80x128xf32, #tpu.memory_space<vmem>>
      %dma_start3A_315 = arith.constant 0 : i32
      %dma_start3A_316 = tpu.memref_slice %arg4[%add3A_309, %dma_start3A_315] : memref<819200x128xf32, #tpu.memory_space<hbm>> -> memref<80x128xf32, #tpu.memory_space<hbm>>
      %dma_start3A_317 = arith.constant 0 : i32
      %dma_start3A_318 = tpu.memref_slice %arg4[%add3A_309, %dma_start3A_317] : memref<819200x128xf32, #tpu.memory_space<hbm>> -> memref<80x128xf32, #tpu.memory_space<hbm>>
      %dma_start3A_319 = arith.constant 0 : i32
      %dma_start3A_320 = arith.constant 0 : i32
      %dma_start3A_321 = tpu.memref_slice %arg6[%dma_start3A_310, %dma_start3A_319, %dma_start3A_320] : memref<8x80x128xf32, #tpu.memory_space<vmem>> -> memref<1x80x128xf32, #tpu.memory_space<vmem>>
      %dma_start3A_322 = tpu.memref_squeeze %dma_start3A_321 : memref<1x80x128xf32, #tpu.memory_space<vmem>> -> memref<80x128xf32, #tpu.memory_space<vmem>>
      tpu.enqueue_dma source(%dma_start3A_322 : memref<80x128xf32, #tpu.memory_space<vmem>>) target(%dma_start3A_318 : memref<80x128xf32, #tpu.memory_space<hbm>>) target_semaphore(%arg19 : memref<!tpu.dma_semaphore, #tpu.memory_space<semaphore_mem>>)
      %mul3A_323 = arith.constant 8 : i32
      %mul3A_324 = arith.muli %add3A_111, %mul3A_323 : i32
      %add3A_325 = arith.constant 5 : i32
      %add3A_326 = arith.addi %mul3A_324, %add3A_325 : i32
      %ge3A_327 = arith.constant 2 : i32
      %ge3A_328 = arith.cmpi sge, %add3A_326, %ge3A_327 : i32
      %convert_element_type3A_329 = arith.extui %ge3A_328 : i1 to i32
      %cond3A_330 = arith.constant 0 : i32
      %cond3A_331 = arith.cmpi ne, %convert_element_type3A_329, %cond3A_330 : i32
      scf.if %cond3A_331 {
        %sub3A = arith.constant 2 : i32
        %sub3A_452 = arith.subi %add3A_326, %sub3A : i32
        %mul3A_453 = arith.constant 80 : i32
        %mul3A_454 = arith.muli %sub3A_452, %mul3A_453 : i32
        %add3A_455 = arith.addi %mul3A_2, %mul3A_454 : i32
        %dma_wait3A_456 = arith.constant 3 : i32
        %dma_wait3A_457 = arith.constant 0 : i32
        %dma_wait3A_458 = arith.constant 0 : i32
        %dma_wait3A_459 = tpu.memref_slice %arg6[%dma_wait3A_456, %dma_wait3A_457, %dma_wait3A_458] : memref<8x80x128xf32, #tpu.memory_space<vmem>> -> memref<1x80x128xf32, #tpu.memory_space<vmem>>
        %dma_wait3A_460 = tpu.memref_squeeze %dma_wait3A_459 : memref<1x80x128xf32, #tpu.memory_space<vmem>> -> memref<80x128xf32, #tpu.memory_space<vmem>>
        %dma_wait3A_461 = arith.constant 0 : i32
        %dma_wait3A_462 = tpu.memref_slice %arg4[%add3A_455, %dma_wait3A_461] : memref<819200x128xf32, #tpu.memory_space<hbm>> -> memref<80x128xf32, #tpu.memory_space<hbm>>
        %dma_wait3A_463 = arith.constant 0 : i32
        %dma_wait3A_464 = tpu.memref_slice %arg4[%add3A_455, %dma_wait3A_463] : memref<819200x128xf32, #tpu.memory_space<hbm>> -> memref<80x128xf32, #tpu.memory_space<hbm>>
        %dma_wait3A_465 = arith.constant 0 : i32
        %dma_wait3A_466 = arith.constant 0 : i32
        %dma_wait3A_467 = tpu.memref_slice %arg6[%dma_wait3A_456, %dma_wait3A_465, %dma_wait3A_466] : memref<8x80x128xf32, #tpu.memory_space<vmem>> -> memref<1x80x128xf32, #tpu.memory_space<vmem>>
        %dma_wait3A_468 = tpu.memref_squeeze %dma_wait3A_467 : memref<1x80x128xf32, #tpu.memory_space<vmem>> -> memref<80x128xf32, #tpu.memory_space<vmem>>
        tpu.wait_dma2 semaphore(%arg18 : memref<!tpu.dma_semaphore, #tpu.memory_space<semaphore_mem>>) src(%dma_wait3A_468 : memref<80x128xf32, #tpu.memory_space<vmem>>) dst(%dma_wait3A_464 : memref<80x128xf32, #tpu.memory_space<hbm>>)
      } else {
      }
      %add3A_332 = arith.constant 6 : i32
      %add3A_333 = arith.addi %add3A_326, %add3A_332 : i32
      %lt3A_334 = arith.constant 320 : i32
      %lt3A_335 = arith.cmpi slt, %add3A_333, %lt3A_334 : i32
      %convert_element_type3A_336 = arith.extui %lt3A_335 : i1 to i32
      %cond3A_337 = arith.constant 0 : i32
      %cond3A_338 = arith.cmpi ne, %convert_element_type3A_336, %cond3A_337 : i32
      scf.if %cond3A_338 {
        %add3A_452 = arith.constant 6 : i32
        %add3A_453 = arith.addi %add3A_326, %add3A_452 : i32
        %dma_start3A_454 = arith.constant 3 : i32
        %dma_start3A_455 = arith.constant 0 : i32
        %dma_start3A_456 = arith.constant 0 : i32
        %dma_start3A_457 = tpu.memref_slice %arg6[%dma_start3A_454, %dma_start3A_455, %dma_start3A_456] : memref<8x80x128xf32, #tpu.memory_space<vmem>> -> memref<1x80x128xf32, #tpu.memory_space<vmem>>
        %dma_start3A_458 = tpu.memref_squeeze %dma_start3A_457 : memref<1x80x128xf32, #tpu.memory_space<vmem>> -> memref<80x128xf32, #tpu.memory_space<vmem>>
        %dma_start3A_459 = arith.constant 0 : i32
        %dma_start3A_460 = tpu.memref_slice %arg5[%add3A_453, %dma_start3A_459] : memref<320x80xi32, #tpu.memory_space<vmem>> -> memref<1x80xi32, #tpu.memory_space<vmem>>
        %dma_start3A_461 = tpu.memref_squeeze %dma_start3A_460 : memref<1x80xi32, #tpu.memory_space<vmem>> -> memref<80xi32, #tpu.memory_space<vmem>>
        %dma_start3A_462 = arith.constant 0 : i32
        %dma_start3A_463 = arith.constant 0 : i32
        %dma_start3A_464 = tpu.memref_slice %arg3[%dma_start3A_462, %dma_start3A_463] : memref<100000x128xf32, #tpu.memory_space<hbm>> -> memref<100000x128xf32, #tpu.memory_space<hbm>>
        tpu.enqueue_indirect_dma source(%dma_start3A_464 : memref<100000x128xf32, #tpu.memory_space<hbm>>) target(%dma_start3A_458 : memref<80x128xf32, #tpu.memory_space<vmem>>) offsets(%dma_start3A_461 : memref<80xi32, #tpu.memory_space<vmem>>) semaphore(%arg10 : memref<!tpu.dma_semaphore, #tpu.memory_space<semaphore_mem>>)
      } else {
      }
      %dma_wait3A_339 = arith.constant 5 : i32
      %dma_wait3A_340 = arith.constant 0 : i32
      %dma_wait3A_341 = arith.constant 0 : i32
      %dma_wait3A_342 = tpu.memref_slice %arg6[%dma_wait3A_339, %dma_wait3A_340, %dma_wait3A_341] : memref<8x80x128xf32, #tpu.memory_space<vmem>> -> memref<1x80x128xf32, #tpu.memory_space<vmem>>
      %dma_wait3A_343 = tpu.memref_squeeze %dma_wait3A_342 : memref<1x80x128xf32, #tpu.memory_space<vmem>> -> memref<80x128xf32, #tpu.memory_space<vmem>>
      %dma_wait3A_344 = arith.constant 0 : i32
      %dma_wait3A_345 = tpu.memref_slice %arg5[%add3A_326, %dma_wait3A_344] : memref<320x80xi32, #tpu.memory_space<vmem>> -> memref<1x80xi32, #tpu.memory_space<vmem>>
      %dma_wait3A_346 = tpu.memref_squeeze %dma_wait3A_345 : memref<1x80xi32, #tpu.memory_space<vmem>> -> memref<80xi32, #tpu.memory_space<vmem>>
      %dma_wait3A_347 = arith.constant 0 : i32
      %dma_wait3A_348 = arith.constant 0 : i32
      %dma_wait3A_349 = tpu.memref_slice %arg3[%dma_wait3A_347, %dma_wait3A_348] : memref<100000x128xf32, #tpu.memory_space<hbm>> -> memref<100000x128xf32, #tpu.memory_space<hbm>>
      tpu.wait_indirect_dma semaphore(%arg12 : memref<!tpu.dma_semaphore, #tpu.memory_space<semaphore_mem>>) src(%dma_wait3A_349 : memref<100000x128xf32, #tpu.memory_space<hbm>>) dst(%dma_wait3A_343 : memref<80x128xf32, #tpu.memory_space<vmem>>)
      %mul3A_350 = arith.constant 80 : i32
      %mul3A_351 = arith.muli %add3A_326, %mul3A_350 : i32
      %add3A_352 = arith.addi %mul3A_2, %mul3A_351 : i32
      %dma_start3A_353 = arith.constant 5 : i32
      %dma_start3A_354 = arith.constant 0 : i32
      %dma_start3A_355 = arith.constant 0 : i32
      %dma_start3A_356 = tpu.memref_slice %arg6[%dma_start3A_353, %dma_start3A_354, %dma_start3A_355] : memref<8x80x128xf32, #tpu.memory_space<vmem>> -> memref<1x80x128xf32, #tpu.memory_space<vmem>>
      %dma_start3A_357 = tpu.memref_squeeze %dma_start3A_356 : memref<1x80x128xf32, #tpu.memory_space<vmem>> -> memref<80x128xf32, #tpu.memory_space<vmem>>
      %dma_start3A_358 = arith.constant 0 : i32
      %dma_start3A_359 = tpu.memref_slice %arg4[%add3A_352, %dma_start3A_358] : memref<819200x128xf32, #tpu.memory_space<hbm>> -> memref<80x128xf32, #tpu.memory_space<hbm>>
      %dma_start3A_360 = arith.constant 0 : i32
      %dma_start3A_361 = tpu.memref_slice %arg4[%add3A_352, %dma_start3A_360] : memref<819200x128xf32, #tpu.memory_space<hbm>> -> memref<80x128xf32, #tpu.memory_space<hbm>>
      %dma_start3A_362 = arith.constant 0 : i32
      %dma_start3A_363 = arith.constant 0 : i32
      %dma_start3A_364 = tpu.memref_slice %arg6[%dma_start3A_353, %dma_start3A_362, %dma_start3A_363] : memref<8x80x128xf32, #tpu.memory_space<vmem>> -> memref<1x80x128xf32, #tpu.memory_space<vmem>>
      %dma_start3A_365 = tpu.memref_squeeze %dma_start3A_364 : memref<1x80x128xf32, #tpu.memory_space<vmem>> -> memref<80x128xf32, #tpu.memory_space<vmem>>
      tpu.enqueue_dma source(%dma_start3A_365 : memref<80x128xf32, #tpu.memory_space<vmem>>) target(%dma_start3A_361 : memref<80x128xf32, #tpu.memory_space<hbm>>) target_semaphore(%arg20 : memref<!tpu.dma_semaphore, #tpu.memory_space<semaphore_mem>>)
      %mul3A_366 = arith.constant 8 : i32
      %mul3A_367 = arith.muli %add3A_111, %mul3A_366 : i32
      %add3A_368 = arith.constant 6 : i32
      %add3A_369 = arith.addi %mul3A_367, %add3A_368 : i32
      %ge3A_370 = arith.constant 2 : i32
      %ge3A_371 = arith.cmpi sge, %add3A_369, %ge3A_370 : i32
      %convert_element_type3A_372 = arith.extui %ge3A_371 : i1 to i32
      %cond3A_373 = arith.constant 0 : i32
      %cond3A_374 = arith.cmpi ne, %convert_element_type3A_372, %cond3A_373 : i32
      scf.if %cond3A_374 {
        %sub3A = arith.constant 2 : i32
        %sub3A_452 = arith.subi %add3A_369, %sub3A : i32
        %mul3A_453 = arith.constant 80 : i32
        %mul3A_454 = arith.muli %sub3A_452, %mul3A_453 : i32
        %add3A_455 = arith.addi %mul3A_2, %mul3A_454 : i32
        %dma_wait3A_456 = arith.constant 4 : i32
        %dma_wait3A_457 = arith.constant 0 : i32
        %dma_wait3A_458 = arith.constant 0 : i32
        %dma_wait3A_459 = tpu.memref_slice %arg6[%dma_wait3A_456, %dma_wait3A_457, %dma_wait3A_458] : memref<8x80x128xf32, #tpu.memory_space<vmem>> -> memref<1x80x128xf32, #tpu.memory_space<vmem>>
        %dma_wait3A_460 = tpu.memref_squeeze %dma_wait3A_459 : memref<1x80x128xf32, #tpu.memory_space<vmem>> -> memref<80x128xf32, #tpu.memory_space<vmem>>
        %dma_wait3A_461 = arith.constant 0 : i32
        %dma_wait3A_462 = tpu.memref_slice %arg4[%add3A_455, %dma_wait3A_461] : memref<819200x128xf32, #tpu.memory_space<hbm>> -> memref<80x128xf32, #tpu.memory_space<hbm>>
        %dma_wait3A_463 = arith.constant 0 : i32
        %dma_wait3A_464 = tpu.memref_slice %arg4[%add3A_455, %dma_wait3A_463] : memref<819200x128xf32, #tpu.memory_space<hbm>> -> memref<80x128xf32, #tpu.memory_space<hbm>>
        %dma_wait3A_465 = arith.constant 0 : i32
        %dma_wait3A_466 = arith.constant 0 : i32
        %dma_wait3A_467 = tpu.memref_slice %arg6[%dma_wait3A_456, %dma_wait3A_465, %dma_wait3A_466] : memref<8x80x128xf32, #tpu.memory_space<vmem>> -> memref<1x80x128xf32, #tpu.memory_space<vmem>>
        %dma_wait3A_468 = tpu.memref_squeeze %dma_wait3A_467 : memref<1x80x128xf32, #tpu.memory_space<vmem>> -> memref<80x128xf32, #tpu.memory_space<vmem>>
        tpu.wait_dma2 semaphore(%arg19 : memref<!tpu.dma_semaphore, #tpu.memory_space<semaphore_mem>>) src(%dma_wait3A_468 : memref<80x128xf32, #tpu.memory_space<vmem>>) dst(%dma_wait3A_464 : memref<80x128xf32, #tpu.memory_space<hbm>>)
      } else {
      }
      %add3A_375 = arith.constant 6 : i32
      %add3A_376 = arith.addi %add3A_369, %add3A_375 : i32
      %lt3A_377 = arith.constant 320 : i32
      %lt3A_378 = arith.cmpi slt, %add3A_376, %lt3A_377 : i32
      %convert_element_type3A_379 = arith.extui %lt3A_378 : i1 to i32
      %cond3A_380 = arith.constant 0 : i32
      %cond3A_381 = arith.cmpi ne, %convert_element_type3A_379, %cond3A_380 : i32
      scf.if %cond3A_381 {
        %add3A_452 = arith.constant 6 : i32
        %add3A_453 = arith.addi %add3A_369, %add3A_452 : i32
        %dma_start3A_454 = arith.constant 4 : i32
        %dma_start3A_455 = arith.constant 0 : i32
        %dma_start3A_456 = arith.constant 0 : i32
        %dma_start3A_457 = tpu.memref_slice %arg6[%dma_start3A_454, %dma_start3A_455, %dma_start3A_456] : memref<8x80x128xf32, #tpu.memory_space<vmem>> -> memref<1x80x128xf32, #tpu.memory_space<vmem>>
        %dma_start3A_458 = tpu.memref_squeeze %dma_start3A_457 : memref<1x80x128xf32, #tpu.memory_space<vmem>> -> memref<80x128xf32, #tpu.memory_space<vmem>>
        %dma_start3A_459 = arith.constant 0 : i32
        %dma_start3A_460 = tpu.memref_slice %arg5[%add3A_453, %dma_start3A_459] : memref<320x80xi32, #tpu.memory_space<vmem>> -> memref<1x80xi32, #tpu.memory_space<vmem>>
        %dma_start3A_461 = tpu.memref_squeeze %dma_start3A_460 : memref<1x80xi32, #tpu.memory_space<vmem>> -> memref<80xi32, #tpu.memory_space<vmem>>
        %dma_start3A_462 = arith.constant 0 : i32
        %dma_start3A_463 = arith.constant 0 : i32
        %dma_start3A_464 = tpu.memref_slice %arg3[%dma_start3A_462, %dma_start3A_463] : memref<100000x128xf32, #tpu.memory_space<hbm>> -> memref<100000x128xf32, #tpu.memory_space<hbm>>
        tpu.enqueue_indirect_dma source(%dma_start3A_464 : memref<100000x128xf32, #tpu.memory_space<hbm>>) target(%dma_start3A_458 : memref<80x128xf32, #tpu.memory_space<vmem>>) offsets(%dma_start3A_461 : memref<80xi32, #tpu.memory_space<vmem>>) semaphore(%arg11 : memref<!tpu.dma_semaphore, #tpu.memory_space<semaphore_mem>>)
      } else {
      }
      %dma_wait3A_382 = arith.constant 6 : i32
      %dma_wait3A_383 = arith.constant 0 : i32
      %dma_wait3A_384 = arith.constant 0 : i32
      %dma_wait3A_385 = tpu.memref_slice %arg6[%dma_wait3A_382, %dma_wait3A_383, %dma_wait3A_384] : memref<8x80x128xf32, #tpu.memory_space<vmem>> -> memref<1x80x128xf32, #tpu.memory_space<vmem>>
      %dma_wait3A_386 = tpu.memref_squeeze %dma_wait3A_385 : memref<1x80x128xf32, #tpu.memory_space<vmem>> -> memref<80x128xf32, #tpu.memory_space<vmem>>
      %dma_wait3A_387 = arith.constant 0 : i32
      %dma_wait3A_388 = tpu.memref_slice %arg5[%add3A_369, %dma_wait3A_387] : memref<320x80xi32, #tpu.memory_space<vmem>> -> memref<1x80xi32, #tpu.memory_space<vmem>>
      %dma_wait3A_389 = tpu.memref_squeeze %dma_wait3A_388 : memref<1x80xi32, #tpu.memory_space<vmem>> -> memref<80xi32, #tpu.memory_space<vmem>>
      %dma_wait3A_390 = arith.constant 0 : i32
      %dma_wait3A_391 = arith.constant 0 : i32
      %dma_wait3A_392 = tpu.memref_slice %arg3[%dma_wait3A_390, %dma_wait3A_391] : memref<100000x128xf32, #tpu.memory_space<hbm>> -> memref<100000x128xf32, #tpu.memory_space<hbm>>
      tpu.wait_indirect_dma semaphore(%arg13 : memref<!tpu.dma_semaphore, #tpu.memory_space<semaphore_mem>>) src(%dma_wait3A_392 : memref<100000x128xf32, #tpu.memory_space<hbm>>) dst(%dma_wait3A_386 : memref<80x128xf32, #tpu.memory_space<vmem>>)
      %mul3A_393 = arith.constant 80 : i32
      %mul3A_394 = arith.muli %add3A_369, %mul3A_393 : i32
      %add3A_395 = arith.addi %mul3A_2, %mul3A_394 : i32
      %dma_start3A_396 = arith.constant 6 : i32
      %dma_start3A_397 = arith.constant 0 : i32
      %dma_start3A_398 = arith.constant 0 : i32
      %dma_start3A_399 = tpu.memref_slice %arg6[%dma_start3A_396, %dma_start3A_397, %dma_start3A_398] : memref<8x80x128xf32, #tpu.memory_space<vmem>> -> memref<1x80x128xf32, #tpu.memory_space<vmem>>
      %dma_start3A_400 = tpu.memref_squeeze %dma_start3A_399 : memref<1x80x128xf32, #tpu.memory_space<vmem>> -> memref<80x128xf32, #tpu.memory_space<vmem>>
      %dma_start3A_401 = arith.constant 0 : i32
      %dma_start3A_402 = tpu.memref_slice %arg4[%add3A_395, %dma_start3A_401] : memref<819200x128xf32, #tpu.memory_space<hbm>> -> memref<80x128xf32, #tpu.memory_space<hbm>>
      %dma_start3A_403 = arith.constant 0 : i32
      %dma_start3A_404 = tpu.memref_slice %arg4[%add3A_395, %dma_start3A_403] : memref<819200x128xf32, #tpu.memory_space<hbm>> -> memref<80x128xf32, #tpu.memory_space<hbm>>
      %dma_start3A_405 = arith.constant 0 : i32
      %dma_start3A_406 = arith.constant 0 : i32
      %dma_start3A_407 = tpu.memref_slice %arg6[%dma_start3A_396, %dma_start3A_405, %dma_start3A_406] : memref<8x80x128xf32, #tpu.memory_space<vmem>> -> memref<1x80x128xf32, #tpu.memory_space<vmem>>
      %dma_start3A_408 = tpu.memref_squeeze %dma_start3A_407 : memref<1x80x128xf32, #tpu.memory_space<vmem>> -> memref<80x128xf32, #tpu.memory_space<vmem>>
      tpu.enqueue_dma source(%dma_start3A_408 : memref<80x128xf32, #tpu.memory_space<vmem>>) target(%dma_start3A_404 : memref<80x128xf32, #tpu.memory_space<hbm>>) target_semaphore(%arg21 : memref<!tpu.dma_semaphore, #tpu.memory_space<semaphore_mem>>)
      %mul3A_409 = arith.constant 8 : i32
      %mul3A_410 = arith.muli %add3A_111, %mul3A_409 : i32
      %add3A_411 = arith.constant 7 : i32
      %add3A_412 = arith.addi %mul3A_410, %add3A_411 : i32
      %ge3A_413 = arith.constant 2 : i32
      %ge3A_414 = arith.cmpi sge, %add3A_412, %ge3A_413 : i32
      %convert_element_type3A_415 = arith.extui %ge3A_414 : i1 to i32
      %cond3A_416 = arith.constant 0 : i32
      %cond3A_417 = arith.cmpi ne, %convert_element_type3A_415, %cond3A_416 : i32
      scf.if %cond3A_417 {
        %sub3A = arith.constant 2 : i32
        %sub3A_452 = arith.subi %add3A_412, %sub3A : i32
        %mul3A_453 = arith.constant 80 : i32
        %mul3A_454 = arith.muli %sub3A_452, %mul3A_453 : i32
        %add3A_455 = arith.addi %mul3A_2, %mul3A_454 : i32
        %dma_wait3A_456 = arith.constant 5 : i32
        %dma_wait3A_457 = arith.constant 0 : i32
        %dma_wait3A_458 = arith.constant 0 : i32
        %dma_wait3A_459 = tpu.memref_slice %arg6[%dma_wait3A_456, %dma_wait3A_457, %dma_wait3A_458] : memref<8x80x128xf32, #tpu.memory_space<vmem>> -> memref<1x80x128xf32, #tpu.memory_space<vmem>>
        %dma_wait3A_460 = tpu.memref_squeeze %dma_wait3A_459 : memref<1x80x128xf32, #tpu.memory_space<vmem>> -> memref<80x128xf32, #tpu.memory_space<vmem>>
        %dma_wait3A_461 = arith.constant 0 : i32
        %dma_wait3A_462 = tpu.memref_slice %arg4[%add3A_455, %dma_wait3A_461] : memref<819200x128xf32, #tpu.memory_space<hbm>> -> memref<80x128xf32, #tpu.memory_space<hbm>>
        %dma_wait3A_463 = arith.constant 0 : i32
        %dma_wait3A_464 = tpu.memref_slice %arg4[%add3A_455, %dma_wait3A_463] : memref<819200x128xf32, #tpu.memory_space<hbm>> -> memref<80x128xf32, #tpu.memory_space<hbm>>
        %dma_wait3A_465 = arith.constant 0 : i32
        %dma_wait3A_466 = arith.constant 0 : i32
        %dma_wait3A_467 = tpu.memref_slice %arg6[%dma_wait3A_456, %dma_wait3A_465, %dma_wait3A_466] : memref<8x80x128xf32, #tpu.memory_space<vmem>> -> memref<1x80x128xf32, #tpu.memory_space<vmem>>
        %dma_wait3A_468 = tpu.memref_squeeze %dma_wait3A_467 : memref<1x80x128xf32, #tpu.memory_space<vmem>> -> memref<80x128xf32, #tpu.memory_space<vmem>>
        tpu.wait_dma2 semaphore(%arg20 : memref<!tpu.dma_semaphore, #tpu.memory_space<semaphore_mem>>) src(%dma_wait3A_468 : memref<80x128xf32, #tpu.memory_space<vmem>>) dst(%dma_wait3A_464 : memref<80x128xf32, #tpu.memory_space<hbm>>)
      } else {
      }
      %add3A_418 = arith.constant 6 : i32
      %add3A_419 = arith.addi %add3A_412, %add3A_418 : i32
      %lt3A_420 = arith.constant 320 : i32
      %lt3A_421 = arith.cmpi slt, %add3A_419, %lt3A_420 : i32
      %convert_element_type3A_422 = arith.extui %lt3A_421 : i1 to i32
      %cond3A_423 = arith.constant 0 : i32
      %cond3A_424 = arith.cmpi ne, %convert_element_type3A_422, %cond3A_423 : i32
      scf.if %cond3A_424 {
        %add3A_452 = arith.constant 6 : i32
        %add3A_453 = arith.addi %add3A_412, %add3A_452 : i32
        %dma_start3A_454 = arith.constant 5 : i32
        %dma_start3A_455 = arith.constant 0 : i32
        %dma_start3A_456 = arith.constant 0 : i32
        %dma_start3A_457 = tpu.memref_slice %arg6[%dma_start3A_454, %dma_start3A_455, %dma_start3A_456] : memref<8x80x128xf32, #tpu.memory_space<vmem>> -> memref<1x80x128xf32, #tpu.memory_space<vmem>>
        %dma_start3A_458 = tpu.memref_squeeze %dma_start3A_457 : memref<1x80x128xf32, #tpu.memory_space<vmem>> -> memref<80x128xf32, #tpu.memory_space<vmem>>
        %dma_start3A_459 = arith.constant 0 : i32
        %dma_start3A_460 = tpu.memref_slice %arg5[%add3A_453, %dma_start3A_459] : memref<320x80xi32, #tpu.memory_space<vmem>> -> memref<1x80xi32, #tpu.memory_space<vmem>>
        %dma_start3A_461 = tpu.memref_squeeze %dma_start3A_460 : memref<1x80xi32, #tpu.memory_space<vmem>> -> memref<80xi32, #tpu.memory_space<vmem>>
        %dma_start3A_462 = arith.constant 0 : i32
        %dma_start3A_463 = arith.constant 0 : i32
        %dma_start3A_464 = tpu.memref_slice %arg3[%dma_start3A_462, %dma_start3A_463] : memref<100000x128xf32, #tpu.memory_space<hbm>> -> memref<100000x128xf32, #tpu.memory_space<hbm>>
        tpu.enqueue_indirect_dma source(%dma_start3A_464 : memref<100000x128xf32, #tpu.memory_space<hbm>>) target(%dma_start3A_458 : memref<80x128xf32, #tpu.memory_space<vmem>>) offsets(%dma_start3A_461 : memref<80xi32, #tpu.memory_space<vmem>>) semaphore(%arg12 : memref<!tpu.dma_semaphore, #tpu.memory_space<semaphore_mem>>)
      } else {
      }
      %dma_wait3A_425 = arith.constant 7 : i32
      %dma_wait3A_426 = arith.constant 0 : i32
      %dma_wait3A_427 = arith.constant 0 : i32
      %dma_wait3A_428 = tpu.memref_slice %arg6[%dma_wait3A_425, %dma_wait3A_426, %dma_wait3A_427] : memref<8x80x128xf32, #tpu.memory_space<vmem>> -> memref<1x80x128xf32, #tpu.memory_space<vmem>>
      %dma_wait3A_429 = tpu.memref_squeeze %dma_wait3A_428 : memref<1x80x128xf32, #tpu.memory_space<vmem>> -> memref<80x128xf32, #tpu.memory_space<vmem>>
      %dma_wait3A_430 = arith.constant 0 : i32
      %dma_wait3A_431 = tpu.memref_slice %arg5[%add3A_412, %dma_wait3A_430] : memref<320x80xi32, #tpu.memory_space<vmem>> -> memref<1x80xi32, #tpu.memory_space<vmem>>
      %dma_wait3A_432 = tpu.memref_squeeze %dma_wait3A_431 : memref<1x80xi32, #tpu.memory_space<vmem>> -> memref<80xi32, #tpu.memory_space<vmem>>
      %dma_wait3A_433 = arith.constant 0 : i32
      %dma_wait3A_434 = arith.constant 0 : i32
      %dma_wait3A_435 = tpu.memref_slice %arg3[%dma_wait3A_433, %dma_wait3A_434] : memref<100000x128xf32, #tpu.memory_space<hbm>> -> memref<100000x128xf32, #tpu.memory_space<hbm>>
      tpu.wait_indirect_dma semaphore(%arg14 : memref<!tpu.dma_semaphore, #tpu.memory_space<semaphore_mem>>) src(%dma_wait3A_435 : memref<100000x128xf32, #tpu.memory_space<hbm>>) dst(%dma_wait3A_429 : memref<80x128xf32, #tpu.memory_space<vmem>>)
      %mul3A_436 = arith.constant 80 : i32
      %mul3A_437 = arith.muli %add3A_412, %mul3A_436 : i32
      %add3A_438 = arith.addi %mul3A_2, %mul3A_437 : i32
      %dma_start3A_439 = arith.constant 7 : i32
      %dma_start3A_440 = arith.constant 0 : i32
      %dma_start3A_441 = arith.constant 0 : i32
      %dma_start3A_442 = tpu.memref_slice %arg6[%dma_start3A_439, %dma_start3A_440, %dma_start3A_441] : memref<8x80x128xf32, #tpu.memory_space<vmem>> -> memref<1x80x128xf32, #tpu.memory_space<vmem>>
      %dma_start3A_443 = tpu.memref_squeeze %dma_start3A_442 : memref<1x80x128xf32, #tpu.memory_space<vmem>> -> memref<80x128xf32, #tpu.memory_space<vmem>>
      %dma_start3A_444 = arith.constant 0 : i32
      %dma_start3A_445 = tpu.memref_slice %arg4[%add3A_438, %dma_start3A_444] : memref<819200x128xf32, #tpu.memory_space<hbm>> -> memref<80x128xf32, #tpu.memory_space<hbm>>
      %dma_start3A_446 = arith.constant 0 : i32
      %dma_start3A_447 = tpu.memref_slice %arg4[%add3A_438, %dma_start3A_446] : memref<819200x128xf32, #tpu.memory_space<hbm>> -> memref<80x128xf32, #tpu.memory_space<hbm>>
      %dma_start3A_448 = arith.constant 0 : i32
      %dma_start3A_449 = arith.constant 0 : i32
      %dma_start3A_450 = tpu.memref_slice %arg6[%dma_start3A_439, %dma_start3A_448, %dma_start3A_449] : memref<8x80x128xf32, #tpu.memory_space<vmem>> -> memref<1x80x128xf32, #tpu.memory_space<vmem>>
      %dma_start3A_451 = tpu.memref_squeeze %dma_start3A_450 : memref<1x80x128xf32, #tpu.memory_space<vmem>> -> memref<80x128xf32, #tpu.memory_space<vmem>>
      tpu.enqueue_dma source(%dma_start3A_451 : memref<80x128xf32, #tpu.memory_space<vmem>>) target(%dma_start3A_447 : memref<80x128xf32, #tpu.memory_space<hbm>>) target_semaphore(%arg22 : memref<!tpu.dma_semaphore, #tpu.memory_space<semaphore_mem>>)
    }
    %scan3A_77 = arith.constant 40 : i32
    %add3A_78 = arith.constant 25440 : i32
    %add3A_79 = arith.addi %mul3A_2, %add3A_78 : i32
    %dma_wait3A = arith.constant 6 : i32
    %dma_wait3A_80 = arith.constant 0 : i32
    %dma_wait3A_81 = arith.constant 0 : i32
    %dma_wait3A_82 = tpu.memref_slice %arg6[%dma_wait3A, %dma_wait3A_80, %dma_wait3A_81] : memref<8x80x128xf32, #tpu.memory_space<vmem>> -> memref<1x80x128xf32, #tpu.memory_space<vmem>>
    %dma_wait3A_83 = tpu.memref_squeeze %dma_wait3A_82 : memref<1x80x128xf32, #tpu.memory_space<vmem>> -> memref<80x128xf32, #tpu.memory_space<vmem>>
    %dma_wait3A_84 = arith.constant 0 : i32
    %dma_wait3A_85 = tpu.memref_slice %arg4[%add3A_79, %dma_wait3A_84] : memref<819200x128xf32, #tpu.memory_space<hbm>> -> memref<80x128xf32, #tpu.memory_space<hbm>>
    %dma_wait3A_86 = arith.constant 0 : i32
    %dma_wait3A_87 = tpu.memref_slice %arg4[%add3A_79, %dma_wait3A_86] : memref<819200x128xf32, #tpu.memory_space<hbm>> -> memref<80x128xf32, #tpu.memory_space<hbm>>
    %dma_wait3A_88 = arith.constant 0 : i32
    %dma_wait3A_89 = arith.constant 0 : i32
    %dma_wait3A_90 = tpu.memref_slice %arg6[%dma_wait3A, %dma_wait3A_88, %dma_wait3A_89] : memref<8x80x128xf32, #tpu.memory_space<vmem>> -> memref<1x80x128xf32, #tpu.memory_space<vmem>>
    %dma_wait3A_91 = tpu.memref_squeeze %dma_wait3A_90 : memref<1x80x128xf32, #tpu.memory_space<vmem>> -> memref<80x128xf32, #tpu.memory_space<vmem>>
    tpu.wait_dma2 semaphore(%arg21 : memref<!tpu.dma_semaphore, #tpu.memory_space<semaphore_mem>>) src(%dma_wait3A_91 : memref<80x128xf32, #tpu.memory_space<vmem>>) dst(%dma_wait3A_87 : memref<80x128xf32, #tpu.memory_space<hbm>>)
    %add3A_92 = arith.constant 25520 : i32
    %add3A_93 = arith.addi %mul3A_2, %add3A_92 : i32
    %dma_wait3A_94 = arith.constant 7 : i32
    %dma_wait3A_95 = arith.constant 0 : i32
    %dma_wait3A_96 = arith.constant 0 : i32
    %dma_wait3A_97 = tpu.memref_slice %arg6[%dma_wait3A_94, %dma_wait3A_95, %dma_wait3A_96] : memref<8x80x128xf32, #tpu.memory_space<vmem>> -> memref<1x80x128xf32, #tpu.memory_space<vmem>>
    %dma_wait3A_98 = tpu.memref_squeeze %dma_wait3A_97 : memref<1x80x128xf32, #tpu.memory_space<vmem>> -> memref<80x128xf32, #tpu.memory_space<vmem>>
    %dma_wait3A_99 = arith.constant 0 : i32
    %dma_wait3A_100 = tpu.memref_slice %arg4[%add3A_93, %dma_wait3A_99] : memref<819200x128xf32, #tpu.memory_space<hbm>> -> memref<80x128xf32, #tpu.memory_space<hbm>>
    %dma_wait3A_101 = arith.constant 0 : i32
    %dma_wait3A_102 = tpu.memref_slice %arg4[%add3A_93, %dma_wait3A_101] : memref<819200x128xf32, #tpu.memory_space<hbm>> -> memref<80x128xf32, #tpu.memory_space<hbm>>
    %dma_wait3A_103 = arith.constant 0 : i32
    %dma_wait3A_104 = arith.constant 0 : i32
    %dma_wait3A_105 = tpu.memref_slice %arg6[%dma_wait3A_94, %dma_wait3A_103, %dma_wait3A_104] : memref<8x80x128xf32, #tpu.memory_space<vmem>> -> memref<1x80x128xf32, #tpu.memory_space<vmem>>
    %dma_wait3A_106 = tpu.memref_squeeze %dma_wait3A_105 : memref<1x80x128xf32, #tpu.memory_space<vmem>> -> memref<80x128xf32, #tpu.memory_space<vmem>>
    tpu.wait_dma2 semaphore(%arg22 : memref<!tpu.dma_semaphore, #tpu.memory_space<semaphore_mem>>) src(%dma_wait3A_106 : memref<80x128xf32, #tpu.memory_space<vmem>>) dst(%dma_wait3A_102 : memref<80x128xf32, #tpu.memory_space<hbm>>)
    return
  }
}

</mosaic_0001>

<sc_bundles>
// kernel: _gather_flat.3.cloned.1.call-start
scs
__scs_entry_jumppad:
0x0: {  	(pc) =	sbr.rel $0x88, $3  }
0x1: {  	(tag) =	ssettag $0x0;
	lr =	simm.s32 $0x1  }
0x2: {  	[smem:$0x3F9F] =	sst lr;
	_ =	strace $0xD0000000  }
0x3: {  	_ = 	snop  }
0x4: {  	_ = 	snop  }
0x5: {  	_ = 	snop  }
0x6: {  	_ = 	snop  }
0x7: {  	_ = 	snop  }
__scs_overlays_trampoline_lowered:
0x8: {  	[smem:$0x3FAE] =	sst s0  }
0x9: {  	[smem:$0x3FAF] =	sst s1  }
0xa: {  	[smem:$0x3FB0] =	sst s2  }
0xb: {  	[smem:$0x3FB1] =	sst s3  }
0xc: {  	[smem:$0x3FB2] =	sst s4  }
0xd: {  	[smem:$0x3FB3] =	sst s5  }
0xe: {  	[smem:$0x3FB4] =	sst s6  }
0xf: {  	[smem:$0x3FB5] =	sst s7  }
0x10: {  	[smem:$0x3FB6] =	sst s8  }
0x11: {  	[smem:$0x3FB7] =	sst s9;
	s0 =	simm.s32 @!p0 $0x0  }
0x12: {  	s1 =	sld [smem:$0x3F9D];
	s0 =	simm.s32 @p0 $0x1  }
0x13: {  	[smem:$0x3FB8] =	sst s0;
	s0 =	simm.s32 @!p1 $0x0  }
0x14: {  	s2 =	sld [smem:$0x3F9C];
	s0 =	simm.s32 @p1 $0x1  }
0x15: {  	[smem:$0x3FB9] =	sst s0;
	s0 =	simm.s32 @!p2 $0x0  }
0x16: {  	s3 =	sld [smem:$0x3FDB];
	s0 =	simm.s32 @p2 $0x1  }
0x17: {  	s4 =	simm.s32 $0x1BF5;
	[smem:$0x3FBB] =	sst s0  }
0x18: {  	s0 =	sld [smem:$0x3F9E];
	_ =	swait.ge [sflag:s4], $0x0  }
0x19: {  	s7 =	sld [smem:$0x3F9F]  }
0x1a: {  	s8 =	sadd.s32 $0xFFFFE003, lr  }
0x1b: {  	s9 =	sadd.s32 $0xFFFFFEF7, lr;
	s5 =	simm.s32 $0xFFFFFFFF;
	p2 =	slt.u32 s8, $0xFFFFF086  }
0x1c: {  	p1 =	slt.u32 s9, $0xF7A;
	s5 =	simm.s32 @!p2 $0x0  }
0x1d: {  	s5 =	simm.s32 @p1 $0x1;
	p0 =	seq.s32 s7, s2  }
0x1e: {  	s7 =	smul.u32 @!p0 $0xF7A, s2;
	p2 =	seq.s32 @!p0 s5, $0x0  }
0x1f: {  	s9 =	smul.u32 $0xF7A, s1;
	s8 =	simm.s32 @!p0 $0x1BF5;
	p2 =	por !p2, p0  }
0x20: {  	[sflag:s8] =	ssyncset.s32 @!p0 $0xFFFFF086;
	s6 =	sadd.s32 @!p0 s3, s7;
	s7 =	simm.s32 @!p0 $0x108  }
0x21: {  	s3 =	sadd.s32 s3, s9;
	s6 =	sadd.s32 @!p0 $0x88, s6;
	s7 =	simm.s32 @p2 $0x1082  }
0x22: {  	[simem:s7], [sflag:s8] =	dma.local @!p0 [hbm:s6], $0xF7A  }
0x23: {  	s9 =	sor.u32 $0xD0000000, s2;
	s6 =	simm.s32 $0x108;
	_ =	swait.ge @!p0 [sflag:s8], $0x0  }
0x24: {  	s3 =	sadd.s32 $0x88, s3;
	s6 =	simm.s32 @!p1 $0x1082;
	[sflag:s4] =	ssyncset.s32 $0xFFFFF086  }
0x25: {  	[simem:s6], [sflag:s4] =	dma.local [hbm:s3], $0xF7A  }
0x26: {  	[smem:$0x3F9F] =	sst s1;
	(tag) =	ssettag s2;
	_ =	strace s9  }
0x27: {  	s1 =	sld [smem:$0x3FAF]  }
0x28: {  	s2 =	sld [smem:$0x3FB0]  }
0x29: {  	s4 =	sld [smem:$0x3FB2]  }
0x2a: {  	p0 =	seq.s32 s5, $0x0;
	s5 =	sld [smem:$0x3FB3]  }
0x2b: {  	s6 =	sld [smem:$0x3FB4]  }
0x2c: {  	s7 =	sld [smem:$0x3FB5]  }
0x2d: {  	s3 =	simm.s32 $0x108;
	s8 =	sld [smem:$0x3FB6]  }
0x2e: {  	s3 =	simm.s32 @!p0 $0x1082;
	s9 =	sld [smem:$0x3FB7]  }
0x2f: {  	lr =	sadd.s32 s0, s3;
	s0 =	sld [smem:$0x3FAE]  }
0x30: {  	s3 =	sld [smem:$0x3FB1]  }
0x31: {  	[smem:$0x3FBA] =	sst s10  }
0x32: {  	s10 =	sld [smem:$0x3FB8];
	_ =	sdelay $0x3  }
0x33: {  	p0 =	seq.s32 s10, $0x1;
	s10 =	sld [smem:$0x3FBA];
	_ =	sdelay $0x3  }
0x34: {  	[smem:$0x3FBA] =	sst s10  }
0x35: {  	s10 =	sld [smem:$0x3FB9];
	_ =	sdelay $0x3  }
0x36: {  	p1 =	seq.s32 s10, $0x1;
	s10 =	sld [smem:$0x3FBA];
	_ =	sdelay $0x3  }
0x37: {  	[smem:$0x3FBA] =	sst s10  }
0x38: {  	s10 =	sld [smem:$0x3FBB]  }
0x39: {  	_ = 	snop;
	(pc) =	sbr.ind lr, $3  }
0x3a: {  	_ = 	snop  }
0x3b: {  	_ = 	snop  }
0x3c: {  	p2 =	seq.s32 s10, $0x1;
	s10 =	sld [smem:$0x3FBA]  }
0x3d: {  	_ =	shalt  }
0x3e: {  	_ =	shalt  }
0x3f: {  	_ =	shalt  }
0x40: {  	_ =	shalt  }
0x41: {  	_ =	shalt  }
0x42: {  	_ =	shalt  }
0x43: {  	_ =	shalt  }
0x44: {  	_ =	shalt  }
0x45: {  	_ =	shalt  }
0x46: {  	_ =	shalt  }
0x47: {  	_ =	shalt  }
0x48: {  	_ =	shalt  }
0x49: {  	_ =	shalt  }
0x4a: {  	_ =	shalt  }
0x4b: {  	_ =	shalt  }
0x4c: {  	_ =	shalt  }
0x4d: {  	_ =	shalt  }
0x4e: {  	_ =	shalt  }
0x4f: {  	_ =	shalt  }
0x50: {  	_ =	shalt  }
0x51: {  	_ =	shalt  }
0x52: {  	_ =	shalt  }
0x53: {  	_ =	shalt  }
0x54: {  	_ =	shalt  }
0x55: {  	_ =	shalt  }
0x56: {  	_ =	shalt  }
0x57: {  	_ =	shalt  }
0x58: {  	_ =	shalt  }
0x59: {  	_ =	shalt  }
0x5a: {  	_ =	shalt  }
0x5b: {  	_ =	shalt  }
0x5c: {  	_ =	shalt  }
0x5d: {  	_ =	shalt  }
0x5e: {  	_ =	shalt  }
0x5f: {  	_ =	shalt  }
0x60: {  	_ =	shalt  }
0x61: {  	_ =	shalt  }
0x62: {  	_ =	shalt  }
0x63: {  	_ =	shalt  }
0x64: {  	_ =	shalt  }
0x65: {  	_ =	shalt  }
0x66: {  	_ =	shalt  }
0x67: {  	_ =	shalt  }
0x68: {  	_ =	shalt  }
0x69: {  	_ =	shalt  }
0x6a: {  	_ =	shalt  }
0x6b: {  	_ =	shalt  }
0x6c: {  	_ =	shalt  }
0x6d: {  	_ =	shalt  }
0x6e: {  	_ =	shalt  }
0x6f: {  	_ =	shalt  }
0x70: {  	_ =	shalt  }
0x71: {  	_ =	shalt  }
0x72: {  	_ =	shalt  }
0x73: {  	_ =	shalt  }
0x74: {  	_ =	shalt  }
0x75: {  	_ =	shalt  }
0x76: {  	_ =	shalt  }
0x77: {  	_ =	shalt  }
0x78: {  	_ =	shalt  }
0x79: {  	_ =	shalt  }
0x7a: {  	_ =	shalt  }
0x7b: {  	_ =	shalt  }
0x7c: {  	_ =	shalt  }
0x7d: {  	_ =	shalt  }
0x7e: {  	_ =	shalt  }
0x7f: {  	_ =	shalt  }
0x80: {  	_ =	shalt  }
0x81: {  	_ =	shalt  }
0x82: {  	_ =	shalt  }
0x83: {  	_ =	shalt  }
0x84: {  	_ =	shalt  }
0x85: {  	_ =	shalt  }
0x86: {  	_ =	shalt  }
0x87: {  	_ =	shalt  }
.Lfunc_end0:
.L_simem_size_0:
called_computation_lowered:
.L_overlay_start_0:
0x88: {  	s2 =	sld [smem:$0x3FD9]  }
0x89: {  	s3 =	sld [smem:$0x3FFE];
	_ =	sdelay $0x1  }
0x8a: {  	s1 =	srdreg.scid  }
0x8b: {  	s0 =	sand.u32 $0x1, s1  }
0x8c: {  	s17 =	sshll.u32 s0, $0xA;
	s2 =	sadd.s32 s3, s2  }
0x8d: {  	s2 =	sadd.s32 s2, s17  }
0x8e: {  	[smem:$0x3FC6] =	sst s2  }
0x8f: {  	_ = 	snop  }
0x90: {  	s2 =	sld [smem:$0x3FC8]  }
0x91: {  	s18 =	sld [smem:$0x3FD0];
	(tm) =	ssettm $0x1  }
0x92: {  	s4 =	sld [smem:$0x3FFB];
	_ =	sdelay $0x3  }
0x93: {  	_ =	strace s4  }
0x94: {  	s4 =	sld [smem:$0x3FFC];
	_ =	sdelay $0x3  }
0x95: {  	_ =	strace s4  }
0x96: {  	s4 =	sld [smem:$0x3FFD];
	_ =	sdelay $0x3  }
0x97: {  	_ =	strace s4  }
0x98: {  	_ =	strace $0x8FFFFFFF  }
0x99: {  	s19 =	sld [smem:$0x3FDB];
	_ =	sdelay $0x1  }
0x9a: {  	s5 =	simm.s32 $_scs_section_size  }
0x9b: {  	s6 =	simm.s32 $_size__tile_overlayer_lowered;
	s7 =	simm.s32 $_tile_overlayer_lowered  }
0x9c: {  	s22 =	simm.s32 $0x1BFF;
	s21 =	sshll.u32 s7, $0x1;
	s4 =	sadd.s32 s5, s19  }
0x9d: {  	s8 =	simm.s32 $0x0;
	s20 =	sshll.u32 s6, $0x1;
	s6 =	sadd.s32 s21, s4  }
0x9e: {  	[timem:s8], [sflag:s22] =	dma.local [hbm:s6], s20  }
0x9f: {  	_ =	swait.ge [sflag:s22], s20  }
0xa0: {  	s5 =	ssub.s32 $0x0, s20;
	[sflag:s22] =	ssyncset.done $0x0  }
0xa1: {  	[sflag:s22] =	ssyncadd.s32 s5;
	_ =	sdelay $0x1  }
0xa2: {  	s23 =	simm.s32 $0x1B8B  }
0xa3: {  	_ =	swait.ge [sflag:s23], $0x1  }
0xa4: {  	[sflag:s23] =	ssyncset.done $0x0  }
0xa5: {  	s25 =	simm.s32 $0x1B8E;
	s24 =	sld [smem:$0x3FFE];
	[sflag:s23] =	ssyncadd.s32 $0xFFFFFFFF  }
0xa6: {  	s26 =	simm.s32 $execute0_lowered;
	[smem:$0x3FD2] =	sst s25  }
0xa7: {  	s6 =	sshll.u32 s26, $0x1;
	_ =	strace $0x80000046;
	[dreg:$0x1] =	wrdreg $0xFFFFFFFF  }
0xa8: {  	s28 =	simm.s32 $_size_execute0_lowered;
	s4 =	sadd.s32 s4, s6;
	[dreg:$0x0] =	wrdreg $0x0  }
0xa9: {  	s6 =	sshll.u32 s28, $0x1;
	[dreg:$0x2] =	wrdreg s4  }
0xaa: {  	[dreg:$0x3] =	wrdreg s6  }
0xab: {  	[dreg:$0x4] =	wrdreg $0xC0  }
0xac: {  	_ =	task [dreg:s8], $0x5FFFF  }
0xad: {  	[dreg:$0x1] =	wrdreg $0xFFFFFFFF  }
0xae: {  	[dreg:$0x0] =	wrdreg $0x60  }
0xaf: {  	[dreg:$0x2] =	wrdreg s24  }
0xb0: {  	[dreg:$0x3] =	wrdreg s2  }
0xb1: {  	[dreg:$0x4] =	wrdreg s18  }
0xb2: {  	[dreg:$0x5] =	wrdreg $0x9  }
0xb3: {  	_ =	task.clear_ibuf [dreg:s8], $0x6FFFF;
	_ =	strace $0x90000046  }
0xb4: {  	s29 =	simm.s32 $0x9;
	_ =	strace $0x80000048  }
0xb5: {  	_ =	swait.ge [sflag:s29], $0x1  }
0xb6: {  	[sflag:s29] =	ssyncadd.s32 $0xFFFFFFFF  }
0xb7: {  	_ =	strace $0x90000048  }
0xb8: {  	_ =	sfence  }
0xb9: {  	s30 =	sld [smem:$0x0];
	_ =	sdelay $0x2  }
0xba: {  	s31 =	sshll.u32 s1, $0xD;
	s1 =	sshrl.u32 s1, $0x2  }
0xbb: {  	s3 =	sand.u32 $0x4000, s31;
	s1 =	sadd.s32 s1, s30  }
0xbc: {  	s0 =	sor.u32 s3, s0;
	s1 =	sshll.u32 s1, $0x11  }
0xbd: {  	s0 =	sor.u32 s1, s0  }
0xbe: {  	s0 =	sadd.s32 $0x8F2B, s0  }
0xbf: {  	[sflag:s0] =	ssyncadd.remote.s32 $0x1  }
0xc0: {  	_ =	sfence.sel $0xFFFF  }
0xc1: {  	[dreg:$0x0] =	wrdreg $0xFFFFFFFF;
	(pc) =	sbr.abs _section_cstart, $3  }
0xc2: {  	[dreg:$0x1] =	wrdreg $0xFFFFFFFF  }
0xc3: {  	_ =	task.clear_ibuf [dreg:s8], $0x2FFFF;
	_ =	strace $0x9FFFFFFF  }
0xc4: {  	(tm) =	ssettm $0x7FFFFFFF  }
0xc5: {  	_ =	shalt  }
tec
execute0_lowered:
.L_overlay_start_1:
0x0: {  	(tag) =	ssettag $0x1  }
0x1: {  	s0 =	rddreg [dreg:$0x0]  }
0x2: {  	s1 =	srdreg.scid;
	s2 =	rddreg [dreg:$0x1]  }
0x3: {  	s7 =	stileid.u32;
	s4 =	rddreg [dreg:$0x2]  }
0x4: {  	s20 =	simm.s32 $0x19000;
	s21 =	simm.s32 $0x1;
	s22 =	simm.s32 $0x1B800  }
0x5: {  	s23 =	simm.s32 $0x2;
	s28 =	simm.s32 $0x4;
	s29 =	simm.s32 $0xB  }
0x6: {  	s30 =	simm.s32 $0x5;
	s31 =	simm.s32 $0xC;
	s10 =	simm.s32 $0x7  }
0x7: {  	s12 =	simm.s32 $0xE;
	s1 =	sand.u32 $0x1, s1;
	s3 =	sshll.u32 s7, $0x1  }
0x8: {  	s14 =	simm.s32 $0x8;
	s7 =	smul.u32 $0xC8000, s7;
	s5 =	sor.u32 s1, s3  }
0x9: {  	s3 =	simm.s32 $0x0;
	s6 =	ssub.s32 $0x2, s1;
	s1 =	smul.u32 $0x64000, s1  }
0xa: {  	s5 =	smul.u32 $0x1400, s5;
	[smem:$0x7FF] =	sst s3;
	s8 =	sshrl.u32 s6, $0x1  }
0xb: {  	s4 =	sadd.s32 s7, s4;
	_ =	strace $0x80000047;
	s24 =	ssub.s32 s6, s8  }
0xc: {  	s26 =	sadd.s32 s1, s4;
	s8 =	simm.s32 $0x50;
	s1 =	simm.s32 $0x6  }
0xd: {  	s6 =	simm.s32 $0x0;
	s0 =	sadd.s32 s5, s0;
	s25 =	smax.u32 s24, $0x1  }
0xe: {  	s24 =	simm.s32 $0x9;
	s0 =	sadd.s32 $0x400, s0;
	[dreg:$0x5] =	wrdreg s25  }
0xf: {  	s25 =	simm.s32 $0x3;
	[dreg:$0x4] =	wrdreg s0;
	s0 =	sadd.s32 $0x1400, s26  }
0x10: {  	s26 =	simm.s32 $0xA;
	[dreg:$0x6] =	wrdreg s0;
	s0 =	simm.s32 $0xD  }
.LBB2_1:
0x11: {  	[dreg:$0x7] =	wrdreg s6  }
0x12: {  	s4 =	rddreg [dreg:$0x4];
	s9 =	simm.s32 $0x11  }
0x13: {  	[tilespmem:s3], [sflag:$0x11] =	stream.linear.gather [hbm4b:s4+s3], $0xA000, $0x38;
	[tilespmem:$0x1E000] =	vst v63  }
0x14: {  	_ =	swait.ge [sflag:s9], $0xA000  }
0x15: {  	[sflag:s9] =	ssyncset.done $0x0  }
0x16: {  	s6 =	simm.s32 $0xA000;
	[sflag:s9] =	ssyncadd.s32 $0xFFFF6000  }
0x17: {  	[tilespmem:s6], [sflag:$0x1] =	stream.indirect.gather [hbm4b:s2+s8], $0x80, s3, s8, $0xb8;
	[tilespmem:$0x1E000] =	vst v63  }
0x18: {  	s11 =	simm.s32 $0x80;
	s7 =	simm.s32 $0xC800  }
0x19: {  	[tilespmem:s7], [sflag:$0x2] =	stream.indirect.gather [hbm4b:s2+s8], $0x80, s11, s8, $0xb8;
	[tilespmem:$0x1E000] =	vst v63  }
0x1a: {  	s13 =	simm.s32 $0x100;
	s11 =	simm.s32 $0xF000  }
0x1b: {  	[tilespmem:s11], [sflag:$0x3] =	stream.indirect.gather [hbm4b:s2+s8], $0x80, s13, s8, $0xb8;
	[tilespmem:$0x1E000] =	vst v63  }
0x1c: {  	s15 =	simm.s32 $0x180;
	s13 =	simm.s32 $0x11800  }
0x1d: {  	[tilespmem:s13], [sflag:$0x4] =	stream.indirect.gather [hbm4b:s2+s8], $0x80, s15, s8, $0xb8;
	[tilespmem:$0x1E000] =	vst v63  }
0x1e: {  	s16 =	simm.s32 $0x200;
	p0 =	por $0x1, $0x1;
	s15 =	simm.s32 $0x14000  }
0x1f: {  	[tilespmem:s15], [sflag:$0x5] =	stream.indirect.gather [hbm4b:s2+s8], $0x80, s16, s8, $0xb8;
	[tilespmem:$0x1E000] =	vst v63  }
0x20: {  	s17 =	simm.s32 $0x280;
	s4 =	simm.s32 @!p0 $0xF;
	s16 =	simm.s32 $0x16800  }
0x21: {  	[tilespmem:s16], [sflag:$0x6] =	stream.indirect.gather [hbm4b:s2+s8], $0x80, s17, s8, $0xb8;
	[tilespmem:$0x1E000] =	vst v63  }
0x22: {  	_ =	swait.ge @!p0 [sflag:s4], $0x2800  }
0x23: {  	[sflag:s4] =	ssyncset.done @!p0 $0x0  }
0x24: {  	s18 =	simm.s32 $0x300;
	[sflag:s4] =	ssyncadd.s32 @!p0 $0xFFFFD800  }
0x25: {  	[tilespmem:s20], [sflag:$0x7] =	stream.indirect.gather [hbm4b:s2+s8], $0x80, s18, s8, $0xb8;
	[tilespmem:$0x1E000] =	vst v63  }
0x26: {  	_ =	swait.ge [sflag:s21], $0x2800  }
0x27: {  	[sflag:s21] =	ssyncset.done $0x0;
	s9 =	rddreg [dreg:$0x6]  }
0x28: {  	s5 =	simm.s32 @!p0 $0x10;
	[sflag:s21] =	ssyncadd.s32 $0xFFFFD800;
	s19 =	sadd.s32 $0xFFFFEC00, s9  }
0x29: {  	[hbm4b:s19+s3] =	stream.linear.scatter [tilespmem:s6], [sflag:$0x9], $0x2800, $0x38;
	[tilespmem:$0x1E000] =	vst v63  }
0x2a: {  	_ =	swait.ge @!p0 [sflag:s5], $0x2800  }
0x2b: {  	[sflag:s5] =	ssyncset.done @!p0 $0x0  }
0x2c: {  	[sflag:s5] =	ssyncadd.s32 @!p0 $0xFFFFD800;
	s5 =	simm.s32 $0x380  }
0x2d: {  	[tilespmem:s22], [sflag:$0x8] =	stream.indirect.gather [hbm4b:s2+s8], $0x80, s5, s8, $0xb8;
	[tilespmem:$0x1E000] =	vst v63  }
0x2e: {  	_ =	swait.ge [sflag:s23], $0x2800  }
0x2f: {  	[sflag:s23] =	ssyncset.done $0x0  }
0x30: {  	s6 =	sadd.s32 $0xFFFFF100, s9;
	[sflag:s23] =	ssyncadd.s32 $0xFFFFD800  }
0x31: {  	[hbm4b:s6+s3] =	stream.linear.scatter [tilespmem:s7], [sflag:$0xA], $0x2800, $0x38;
	[tilespmem:$0x1E000] =	vst v63  }
0x32: {  	p0 =	por $0x0, $0x0;
	_ =	swait.ge [sflag:s24], $0x2800  }
0x33: {  	s4 =	simm.s32 @!p0 $0xA000;
	[sflag:s24] =	ssyncset.done $0x0  }
0x34: {  	s5 =	simm.s32 @!p0 $0x400;
	s6 =	simm.s32 @!p0 $0x50;
	[sflag:s24] =	ssyncadd.s32 $0xFFFFD800  }
0x35: {  	[tilespmem:s4], [sflag:$0x1] =	stream.indirect.gather @!p0 [hbm4b:s2+s6], $0x80, s5, s6, $0xb8;
	[tilespmem:$0x1E000] =	vst v63  }
0x36: {  	_ =	swait.ge [sflag:s25], $0x2800  }
0x37: {  	[sflag:s25] =	ssyncset.done $0x0  }
0x38: {  	s7 =	sadd.s32 $0xFFFFF600, s9;
	[sflag:s25] =	ssyncadd.s32 $0xFFFFD800  }
0x39: {  	[hbm4b:s7+s3] =	stream.linear.scatter [tilespmem:s11], [sflag:$0xB], $0x2800, $0x38;
	[tilespmem:$0x1E000] =	vst v63  }
0x3a: {  	_ =	swait.ge [sflag:s26], $0x2800  }
0x3b: {  	[sflag:s26] =	ssyncset.done $0x0  }
0x3c: {  	s4 =	simm.s32 @!p0 $0x480;
	s5 =	simm.s32 @!p0 $0xC800;
	[sflag:s26] =	ssyncadd.s32 $0xFFFFD800  }
0x3d: {  	[tilespmem:s5], [sflag:$0x2] =	stream.indirect.gather @!p0 [hbm4b:s2+s6], $0x80, s4, s6, $0xb8;
	[tilespmem:$0x1E000] =	vst v63  }
0x3e: {  	_ =	swait.ge [sflag:s28], $0x2800  }
0x3f: {  	[sflag:s28] =	ssyncset.done $0x0  }
0x40: {  	s17 =	sadd.s32 $0xFFFFFB00, s9;
	[sflag:s28] =	ssyncadd.s32 $0xFFFFD800  }
0x41: {  	[hbm4b:s17+s3] =	stream.linear.scatter [tilespmem:s13], [sflag:$0xC], $0x2800, $0x38;
	[tilespmem:$0x1E000] =	vst v63  }
0x42: {  	_ =	swait.ge [sflag:s29], $0x2800  }
0x43: {  	[sflag:s29] =	ssyncset.done $0x0  }
0x44: {  	s4 =	simm.s32 @!p0 $0x500;
	s5 =	simm.s32 @!p0 $0xF000;
	[sflag:s29] =	ssyncadd.s32 $0xFFFFD800  }
0x45: {  	[tilespmem:s5], [sflag:$0x3] =	stream.indirect.gather @!p0 [hbm4b:s2+s6], $0x80, s4, s6, $0xb8;
	[tilespmem:$0x1E000] =	vst v63  }
0x46: {  	_ =	swait.ge [sflag:s30], $0x2800  }
0x47: {  	[sflag:s30] =	ssyncset.done $0x0  }
0x48: {  	[sflag:s30] =	ssyncadd.s32 $0xFFFFD800  }
0x49: {  	[hbm4b:s9+s3] =	stream.linear.scatter [tilespmem:s15], [sflag:$0xD], $0x2800, $0x38;
	[tilespmem:$0x1E000] =	vst v63  }
0x4a: {  	_ =	swait.ge [sflag:s31], $0x2800  }
0x4b: {  	[sflag:s31] =	ssyncset.done $0x0  }
0x4c: {  	s4 =	simm.s32 @!p0 $0x580;
	s5 =	simm.s32 @!p0 $0x11800;
	[sflag:s31] =	ssyncadd.s32 $0xFFFFD800  }
0x4d: {  	[tilespmem:s5], [sflag:$0x4] =	stream.indirect.gather @!p0 [hbm4b:s2+s6], $0x80, s4, s6, $0xb8;
	[tilespmem:$0x1E000] =	vst v63  }
0x4e: {  	_ =	swait.ge [sflag:s1], $0x2800  }
0x4f: {  	[sflag:s1] =	ssyncset.done $0x0  }
0x50: {  	s18 =	sadd.s32 $0x500, s9;
	[sflag:s1] =	ssyncadd.s32 $0xFFFFD800  }
0x51: {  	[hbm4b:s18+s3] =	stream.linear.scatter [tilespmem:s16], [sflag:$0xE], $0x2800, $0x38;
	[tilespmem:$0x1E000] =	vst v63  }
0x52: {  	_ =	swait.ge [sflag:s0], $0x2800  }
0x53: {  	[sflag:s0] =	ssyncset.done $0x0  }
0x54: {  	s4 =	simm.s32 @!p0 $0x600;
	s5 =	simm.s32 @!p0 $0x14000;
	[sflag:s0] =	ssyncadd.s32 $0xFFFFD800  }
0x55: {  	[tilespmem:s5], [sflag:$0x5] =	stream.indirect.gather @!p0 [hbm4b:s2+s6], $0x80, s4, s6, $0xb8;
	[tilespmem:$0x1E000] =	vst v63  }
0x56: {  	_ =	swait.ge [sflag:s10], $0x2800  }
0x57: {  	[sflag:s10] =	ssyncset.done $0x0  }
0x58: {  	s19 =	sadd.s32 $0xA00, s9;
	[sflag:s10] =	ssyncadd.s32 $0xFFFFD800  }
0x59: {  	[hbm4b:s19+s3] =	stream.linear.scatter [tilespmem:s20], [sflag:$0xF], $0x2800, $0x38;
	[tilespmem:$0x1E000] =	vst v63  }
0x5a: {  	_ =	swait.ge [sflag:s12], $0x2800  }
0x5b: {  	p1 =	por $0x0, $0x0;
	[sflag:s12] =	ssyncset.done $0x0  }
0x5c: {  	s4 =	simm.s32 @!p0 $0x680;
	s5 =	simm.s32 @!p0 $0x16800;
	[sflag:s12] =	ssyncadd.s32 $0xFFFFD800  }
0x5d: {  	[tilespmem:s5], [sflag:$0x6] =	stream.indirect.gather @!p0 [hbm4b:s2+s6], $0x80, s4, s6, $0xb8;
	[tilespmem:$0x1E000] =	vst v63  }
0x5e: {  	s7 =	simm.s32 $0x1000;
	s16 =	simm.s32 $0x2000;
	_ =	swait.ge [sflag:s14], $0x2800  }
0x5f: {  	s5 =	sadd.s32 $0x2800, s9;
	s4 =	sadd.s32 $0xF00, s9;
	[sflag:s14] =	ssyncset.done $0x0  }
.LBB2_2:
0x60: {  	s6 =	simm.s32 @!p1 $0xF;
	[sflag:s14] =	ssyncadd.s32 $0xFFFFD800  }
0x61: {  	s9 =	smov.u32 s16;
	s16 =	sadd.s32 $0x1000, s16;
	s18 =	smov.u32 s5  }
0x62: {  	[hbm4b:s4+s3] =	stream.linear.scatter [tilespmem:s22], [sflag:$0x10], $0x2800, $0x38;
	[tilespmem:$0x1E000] =	vst v63  }
0x63: {  	p0 =	sne.s32 s16, $0x28000;
	_ =	swait.ge @!p1 [sflag:s6], $0x2800  }
0x64: {  	s4 =	sshra.s32 s7, $0x2;
	[sflag:s6] =	ssyncset.done @!p1 $0x0  }
0x65: {  	[sflag:s6] =	ssyncadd.s32 @!p1 $0xFFFFD800;
	s6 =	sadd.s32 $0x300, s4  }
0x66: {  	[tilespmem:s20], [sflag:$0x7] =	stream.indirect.gather [hbm4b:s2+s8], $0x80, s6, s8, $0xb8;
	[tilespmem:$0x1E000] =	vst v63  }
0x67: {  	_ =	swait.ge [sflag:s21], $0x2800  }
0x68: {  	s11 =	simm.s32 @!p1 $0x10;
	[sflag:s21] =	ssyncset.done $0x0  }
0x69: {  	s13 =	simm.s32 $0xA000;
	s6 =	sadd.s32 $0xFFFFEC00, s5;
	[sflag:s21] =	ssyncadd.s32 $0xFFFFD800  }
0x6a: {  	[hbm4b:s6+s3] =	stream.linear.scatter [tilespmem:s13], [sflag:$0x9], $0x2800, $0x38;
	[tilespmem:$0x1E000] =	vst v63  }
0x6b: {  	_ =	swait.ge @!p1 [sflag:s11], $0x2800  }
0x6c: {  	[sflag:s11] =	ssyncset.done @!p1 $0x0  }
0x6d: {  	s4 =	sadd.s32 $0x380, s4;
	[sflag:s11] =	ssyncadd.s32 @!p1 $0xFFFFD800  }
0x6e: {  	[tilespmem:s22], [sflag:$0x8] =	stream.indirect.gather [hbm4b:s2+s8], $0x80, s4, s8, $0xb8;
	[tilespmem:$0x1E000] =	vst v63  }
0x6f: {  	_ =	swait.ge [sflag:s23], $0x2800  }
0x70: {  	[sflag:s23] =	ssyncset.done $0x0  }
0x71: {  	s6 =	simm.s32 $0xC800;
	s4 =	sadd.s32 $0xFFFFF100, s5;
	[sflag:s23] =	ssyncadd.s32 $0xFFFFD800  }
0x72: {  	[hbm4b:s4+s3] =	stream.linear.scatter [tilespmem:s6], [sflag:$0xA], $0x2800, $0x38;
	[tilespmem:$0x1E000] =	vst v63  }
0x73: {  	s17 =	sadd.s32 $0xFFFFF600, s5;
	p1 =	seq.s32 s7, $0x27000;
	_ =	swait.ge [sflag:s24], $0x2800  }
0x74: {  	s7 =	sshra.s32 @!p1 s7, $0x2;
	s6 =	simm.s32 @!p1 $0xA000;
	[sflag:s24] =	ssyncset.done $0x0  }
0x75: {  	s11 =	sadd.s32 @!p1 $0x400, s7;
	s4 =	simm.s32 @!p1 $0x50;
	[sflag:s24] =	ssyncadd.s32 $0xFFFFD800  }
0x76: {  	[tilespmem:s6], [sflag:$0x1] =	stream.indirect.gather @!p1 [hbm4b:s2+s4], $0x80, s11, s4, $0xb8;
	[tilespmem:$0x1E000] =	vst v63  }
0x77: {  	s13 =	sadd.s32 @!p1 $0x500, s7;
	s15 =	sadd.s32 @!p1 $0x580, s7;
	_ =	swait.ge [sflag:s25], $0x2800  }
0x78: {  	s11 =	sadd.s32 @!p1 $0x600, s7;
	s6 =	sadd.s32 @!p1 $0x680, s7;
	[sflag:s25] =	ssyncset.done $0x0  }
0x79: {  	s19 =	sadd.s32 @!p1 $0x480, s7;
	s7 =	simm.s32 $0xF000;
	[sflag:s25] =	ssyncadd.s32 $0xFFFFD800  }
0x7a: {  	[hbm4b:s17+s3] =	stream.linear.scatter [tilespmem:s7], [sflag:$0xB], $0x2800, $0x38;
	[tilespmem:$0x1E000] =	vst v63  }
0x7b: {  	s7 =	smov.u32 s9;
	_ =	swait.ge [sflag:s26], $0x2800  }
0x7c: {  	[sflag:s26] =	ssyncset.done $0x0  }
0x7d: {  	s9 =	simm.s32 @!p1 $0xC800;
	[sflag:s26] =	ssyncadd.s32 $0xFFFFD800  }
0x7e: {  	[tilespmem:s9], [sflag:$0x2] =	stream.indirect.gather @!p1 [hbm4b:s2+s4], $0x80, s19, s4, $0xb8;
	[tilespmem:$0x1E000] =	vst v63  }
0x7f: {  	_ =	swait.ge [sflag:s28], $0x2800  }
0x80: {  	[sflag:s28] =	ssyncset.done $0x0  }
0x81: {  	s17 =	simm.s32 $0x11800;
	s9 =	sadd.s32 $0xFFFFFB00, s5;
	[sflag:s28] =	ssyncadd.s32 $0xFFFFD800  }
0x82: {  	[hbm4b:s9+s3] =	stream.linear.scatter [tilespmem:s17], [sflag:$0xC], $0x2800, $0x38;
	[tilespmem:$0x1E000] =	vst v63  }
0x83: {  	_ =	swait.ge [sflag:s29], $0x2800  }
0x84: {  	[sflag:s29] =	ssyncset.done $0x0  }
0x85: {  	s9 =	simm.s32 @!p1 $0xF000;
	[sflag:s29] =	ssyncadd.s32 $0xFFFFD800  }
0x86: {  	[tilespmem:s9], [sflag:$0x3] =	stream.indirect.gather @!p1 [hbm4b:s2+s4], $0x80, s13, s4, $0xb8;
	[tilespmem:$0x1E000] =	vst v63  }
0x87: {  	_ =	swait.ge [sflag:s30], $0x2800  }
0x88: {  	[sflag:s30] =	ssyncset.done $0x0  }
0x89: {  	s9 =	simm.s32 $0x14000;
	[sflag:s30] =	ssyncadd.s32 $0xFFFFD800  }
0x8a: {  	[hbm4b:s5+s3] =	stream.linear.scatter [tilespmem:s9], [sflag:$0xD], $0x2800, $0x38;
	[tilespmem:$0x1E000] =	vst v63  }
0x8b: {  	_ =	swait.ge [sflag:s31], $0x2800  }
0x8c: {  	[sflag:s31] =	ssyncset.done $0x0  }
0x8d: {  	s9 =	simm.s32 @!p1 $0x11800;
	[sflag:s31] =	ssyncadd.s32 $0xFFFFD800  }
0x8e: {  	[tilespmem:s9], [sflag:$0x4] =	stream.indirect.gather @!p1 [hbm4b:s2+s4], $0x80, s15, s4, $0xb8;
	[tilespmem:$0x1E000] =	vst v63  }
0x8f: {  	_ =	swait.ge [sflag:s1], $0x2800  }
0x90: {  	[sflag:s1] =	ssyncset.done $0x0  }
0x91: {  	s13 =	simm.s32 $0x16800;
	s9 =	sadd.s32 $0x500, s5;
	[sflag:s1] =	ssyncadd.s32 $0xFFFFD800  }
0x92: {  	[hbm4b:s9+s3] =	stream.linear.scatter [tilespmem:s13], [sflag:$0xE], $0x2800, $0x38;
	[tilespmem:$0x1E000] =	vst v63  }
0x93: {  	_ =	swait.ge [sflag:s0], $0x2800  }
0x94: {  	[sflag:s0] =	ssyncset.done $0x0  }
0x95: {  	s9 =	simm.s32 @!p1 $0x14000;
	[sflag:s0] =	ssyncadd.s32 $0xFFFFD800  }
0x96: {  	[tilespmem:s9], [sflag:$0x5] =	stream.indirect.gather @!p1 [hbm4b:s2+s4], $0x80, s11, s4, $0xb8;
	[tilespmem:$0x1E000] =	vst v63  }
0x97: {  	_ =	swait.ge [sflag:s10], $0x2800  }
0x98: {  	[sflag:s10] =	ssyncset.done $0x0  }
0x99: {  	s9 =	sadd.s32 $0xA00, s5;
	[sflag:s10] =	ssyncadd.s32 $0xFFFFD800  }
0x9a: {  	[hbm4b:s9+s3] =	stream.linear.scatter [tilespmem:s20], [sflag:$0xF], $0x2800, $0x38;
	[tilespmem:$0x1E000] =	vst v63  }
0x9b: {  	_ =	swait.ge [sflag:s12], $0x2800  }
.Ltmp0:
0x9c: {  	[sflag:s12] =	ssyncset.done $0x0;
	(pc) =	sbr.rel @p0 .LBB2_2-.Ltmp0, $4  }
0x9d: {  	s9 =	simm.s32 @!p1 $0x16800;
	[sflag:s12] =	ssyncadd.s32 $0xFFFFD800  }
0x9e: {  	[tilespmem:s9], [sflag:$0x6] =	stream.indirect.gather @!p1 [hbm4b:s2+s4], $0x80, s6, s4, $0xb8;
	[tilespmem:$0x1E000] =	vst v63  }
0x9f: {  	s5 =	sadd.s32 $0x2800, s5;
	_ =	swait.ge [sflag:s14], $0x2800  }
0xa0: {  	p1 =	seq.s32 s7, $0x0;
	s4 =	sadd.s32 $0xF00, s18;
	[sflag:s14] =	ssyncset.done $0x0  }
0xa1: {  	s6 =	simm.s32 @!p1 $0xF;
	[sflag:s14] =	ssyncadd.s32 $0xFFFFD800  }
0xa2: {  	[hbm4b:s4+s3] =	stream.linear.scatter [tilespmem:s22], [sflag:$0x10], $0x2800, $0x38;
	[tilespmem:$0x1E000] =	vst v63  }
0xa3: {  	_ =	swait.ge @!p1 [sflag:s6], $0x2800  }
0xa4: {  	s17 =	sshra.s32 s7, $0x2;
	[sflag:s6] =	ssyncset.done @!p1 $0x0  }
0xa5: {  	s18 =	sadd.s32 $0x300, s17;
	[sflag:s6] =	ssyncadd.s32 @!p1 $0xFFFFD800  }
0xa6: {  	[tilespmem:s20], [sflag:$0x7] =	stream.indirect.gather [hbm4b:s2+s8], $0x80, s18, s8, $0xb8;
	[tilespmem:$0x1E000] =	vst v63  }
0xa7: {  	_ =	swait.ge [sflag:s21], $0x2800  }
0xa8: {  	s19 =	sadd.s32 $0xFFFFEC00, s5;
	[sflag:s21] =	ssyncset.done $0x0  }
0xa9: {  	s9 =	simm.s32 @!p1 $0x10;
	s11 =	simm.s32 $0xA000;
	[sflag:s21] =	ssyncadd.s32 $0xFFFFD800  }
0xaa: {  	[hbm4b:s19+s3] =	stream.linear.scatter [tilespmem:s11], [sflag:$0x9], $0x2800, $0x38;
	[tilespmem:$0x1E000] =	vst v63  }
0xab: {  	_ =	swait.ge @!p1 [sflag:s9], $0x2800  }
0xac: {  	[sflag:s9] =	ssyncset.done @!p1 $0x0  }
0xad: {  	s4 =	sadd.s32 $0x380, s17;
	[sflag:s9] =	ssyncadd.s32 @!p1 $0xFFFFD800  }
0xae: {  	[tilespmem:s22], [sflag:$0x8] =	stream.indirect.gather [hbm4b:s2+s8], $0x80, s4, s8, $0xb8;
	[tilespmem:$0x1E000] =	vst v63  }
0xaf: {  	_ =	swait.ge [sflag:s23], $0x2800  }
0xb0: {  	[sflag:s23] =	ssyncset.done $0x0  }
0xb1: {  	s13 =	simm.s32 $0xC800;
	s11 =	sadd.s32 $0xFFFFF100, s5;
	[sflag:s23] =	ssyncadd.s32 $0xFFFFD800  }
0xb2: {  	[hbm4b:s11+s3] =	stream.linear.scatter [tilespmem:s13], [sflag:$0xA], $0x2800, $0x38;
	[tilespmem:$0x1E000] =	vst v63  }
0xb3: {  	p0 =	seq.s32 s7, $0x27000;
	_ =	swait.ge [sflag:s24], $0x2800  }
0xb4: {  	s6 =	simm.s32 @!p0 $0xA000;
	s4 =	sshra.s32 @!p0 s7, $0x2;
	[sflag:s24] =	ssyncset.done $0x0  }
0xb5: {  	s9 =	simm.s32 @!p0 $0x50;
	s7 =	sadd.s32 @!p0 $0x400, s4;
	[sflag:s24] =	ssyncadd.s32 $0xFFFFD800  }
0xb6: {  	[tilespmem:s6], [sflag:$0x1] =	stream.indirect.gather @!p0 [hbm4b:s2+s9], $0x80, s7, s9, $0xb8;
	[tilespmem:$0x1E000] =	vst v63  }
0xb7: {  	_ =	swait.ge [sflag:s25], $0x2800  }
0xb8: {  	[sflag:s25] =	ssyncset.done $0x0  }
0xb9: {  	s15 =	sadd.s32 $0xFFFFF600, s5;
	s16 =	simm.s32 $0xF000;
	[sflag:s25] =	ssyncadd.s32 $0xFFFFD800  }
0xba: {  	[hbm4b:s15+s3] =	stream.linear.scatter [tilespmem:s16], [sflag:$0xB], $0x2800, $0x38;
	[tilespmem:$0x1E000] =	vst v63  }
0xbb: {  	_ =	swait.ge [sflag:s26], $0x2800  }
0xbc: {  	[sflag:s26] =	ssyncset.done $0x0  }
0xbd: {  	s6 =	sadd.s32 @!p0 $0x480, s4;
	s7 =	simm.s32 @!p0 $0xC800;
	[sflag:s26] =	ssyncadd.s32 $0xFFFFD800  }
0xbe: {  	[tilespmem:s7], [sflag:$0x2] =	stream.indirect.gather @!p0 [hbm4b:s2+s9], $0x80, s6, s9, $0xb8;
	[tilespmem:$0x1E000] =	vst v63  }
0xbf: {  	_ =	swait.ge [sflag:s28], $0x2800  }
0xc0: {  	[sflag:s28] =	ssyncset.done $0x0  }
0xc1: {  	s17 =	sadd.s32 $0xFFFFFB00, s5;
	s18 =	simm.s32 $0x11800;
	[sflag:s28] =	ssyncadd.s32 $0xFFFFD800  }
0xc2: {  	[hbm4b:s17+s3] =	stream.linear.scatter [tilespmem:s18], [sflag:$0xC], $0x2800, $0x38;
	[tilespmem:$0x1E000] =	vst v63  }
0xc3: {  	_ =	swait.ge [sflag:s29], $0x2800  }
0xc4: {  	[sflag:s29] =	ssyncset.done $0x0  }
0xc5: {  	s6 =	sadd.s32 @!p0 $0x500, s4;
	s7 =	simm.s32 @!p0 $0xF000;
	[sflag:s29] =	ssyncadd.s32 $0xFFFFD800  }
0xc6: {  	[tilespmem:s7], [sflag:$0x3] =	stream.indirect.gather @!p0 [hbm4b:s2+s9], $0x80, s6, s9, $0xb8;
	[tilespmem:$0x1E000] =	vst v63  }
0xc7: {  	_ =	swait.ge [sflag:s30], $0x2800  }
0xc8: {  	[sflag:s30] =	ssyncset.done $0x0  }
0xc9: {  	s19 =	simm.s32 $0x14000;
	[sflag:s30] =	ssyncadd.s32 $0xFFFFD800  }
0xca: {  	[hbm4b:s5+s3] =	stream.linear.scatter [tilespmem:s19], [sflag:$0xD], $0x2800, $0x38;
	[tilespmem:$0x1E000] =	vst v63  }
0xcb: {  	_ =	swait.ge [sflag:s31], $0x2800  }
0xcc: {  	[sflag:s31] =	ssyncset.done $0x0  }
0xcd: {  	s6 =	sadd.s32 @!p0 $0x580, s4;
	s7 =	simm.s32 @!p0 $0x11800;
	[sflag:s31] =	ssyncadd.s32 $0xFFFFD800  }
0xce: {  	[tilespmem:s7], [sflag:$0x4] =	stream.indirect.gather @!p0 [hbm4b:s2+s9], $0x80, s6, s9, $0xb8;
	[tilespmem:$0x1E000] =	vst v63  }
0xcf: {  	_ =	swait.ge [sflag:s1], $0x2800  }
0xd0: {  	[sflag:s1] =	ssyncset.done $0x0  }
0xd1: {  	s11 =	simm.s32 $0x16800;
	s7 =	sadd.s32 $0x500, s5;
	[sflag:s1] =	ssyncadd.s32 $0xFFFFD800  }
0xd2: {  	[hbm4b:s7+s3] =	stream.linear.scatter [tilespmem:s11], [sflag:$0xE], $0x2800, $0x38;
	[tilespmem:$0x1E000] =	vst v63  }
0xd3: {  	_ =	swait.ge [sflag:s0], $0x2800  }
0xd4: {  	[sflag:s0] =	ssyncset.done $0x0  }
0xd5: {  	s6 =	sadd.s32 @!p0 $0x600, s4;
	s7 =	simm.s32 @!p0 $0x14000;
	[sflag:s0] =	ssyncadd.s32 $0xFFFFD800  }
0xd6: {  	[tilespmem:s7], [sflag:$0x5] =	stream.indirect.gather @!p0 [hbm4b:s2+s9], $0x80, s6, s9, $0xb8;
	[tilespmem:$0x1E000] =	vst v63  }
0xd7: {  	_ =	swait.ge [sflag:s10], $0x2800  }
0xd8: {  	[sflag:s10] =	ssyncset.done $0x0  }
0xd9: {  	s13 =	sadd.s32 $0xA00, s5;
	[sflag:s10] =	ssyncadd.s32 $0xFFFFD800  }
0xda: {  	[hbm4b:s13+s3] =	stream.linear.scatter [tilespmem:s20], [sflag:$0xF], $0x2800, $0x38;
	[tilespmem:$0x1E000] =	vst v63  }
0xdb: {  	_ =	swait.ge [sflag:s12], $0x2800  }
0xdc: {  	[sflag:s12] =	ssyncset.done $0x0  }
0xdd: {  	s4 =	sadd.s32 @!p0 $0x680, s4;
	s6 =	simm.s32 @!p0 $0x16800;
	[sflag:s12] =	ssyncadd.s32 $0xFFFFD800  }
0xde: {  	[tilespmem:s6], [sflag:$0x6] =	stream.indirect.gather @!p0 [hbm4b:s2+s9], $0x80, s4, s9, $0xb8;
	[tilespmem:$0x1E000] =	vst v63  }
0xdf: {  	_ =	swait.ge [sflag:s14], $0x2800  }
0xe0: {  	[sflag:s14] =	ssyncset.done $0x0  }
0xe1: {  	s15 =	sadd.s32 $0xF00, s5;
	s16 =	simm.s32 $0xF;
	[sflag:s14] =	ssyncadd.s32 $0xFFFFD800  }
0xe2: {  	[hbm4b:s15+s3] =	stream.linear.scatter [tilespmem:s22], [sflag:$0x10], $0x2800, $0x38;
	[tilespmem:$0x1E000] =	vst v63  }
0xe3: {  	_ =	swait.ge [sflag:s16], $0x2800  }
0xe4: {  	[sflag:s16] =	ssyncset.done $0x0  }
0xe5: {  	s17 =	simm.s32 $0x10;
	[sflag:s16] =	ssyncadd.s32 $0xFFFFD800  }
0xe6: {  	_ =	swait.ge [sflag:s17], $0x2800  }
0xe7: {  	s18 =	rddreg [dreg:$0x7]  }
0xe8: {  	s19 =	rddreg [dreg:$0x5];
	s6 =	sadd.s32 $0x1, s18  }
0xe9: {  	p0 =	sne.s32 s6, s19  }
.Ltmp1:
0xea: {  	_ = 	snop;
	(pc) =	sbr.rel @p0 .LBB2_1-.Ltmp1, $3  }
0xeb: {  	_ =	sdelay $0x1  }
0xec: {  	[sflag:s17] =	ssyncset.done $0x0  }
0xed: {  	[sflag:s17] =	ssyncadd.s32 $0xFFFFD800  }
0xee: {  	_ =	sfence.sel $0x180000  }
0xef: {  	[bflag:$0x0] =	sbarrier.arrive $0xFFFF  }
0xf0: {  	_ =	strace $0x90000047  }
0xf1: {  	s0 =	stileid.u32;
	[bflag:$0x2] =	sbarrier.arrive $0xFFFF  }
0xf2: {  	p0 =	sne.s32 s0, $0x0;
	s0 =	rddreg [dreg:$0x3]  }
0xf3: {  	s0 =	sadd.s32 @!p0 $0x100000, s0  }
0xf4: {  	[sflag:s0] =	ssyncadd.tile.s32 @!p0 $0x1;
	_ =	shalt  }
.Lfunc_end2:
_tile_overlayer_lowered:
.L_overlay_start_2:
0xf5: {  	(tag) =	ssettag $0x2  }
0xf6: {  	s0 =	rddreg [dreg:$0x0];
	s2 =	stileid.u32  }
0xf7: {  	s1 =	rddreg [dreg:$0x1];
	p0 =	sne.s32 s2, $0x0  }
0xf8: {  	s3 =	rddreg [dreg:$0x2];
	[bflag:$0x3] =	sbarrier.arrive $0xFFFF;
	s2 =	simm.s32 @!p0 $0x1C11  }
0xf9: {  	[timem:s3], [sflag:s2] =	dma.local @!p0 [hbm:s0], s1  }
0xfa: {  	s0 =	simm.s32 @!p0 $0x11  }
0xfb: {  	_ =	swait.ge @!p0 [sflag:s0], s1  }
0xfc: {  	s1 =	ssub.s32 @!p0 $0x0, s1;
	[sflag:s0] =	ssyncset.done @!p0 $0x0  }
0xfd: {  	[sflag:s0] =	ssyncadd.s32 @!p0 s1  }
0xfe: {  	[bflag:$0x3] =	sbarrier.arrive $0xFFFF  }
0xff: {  	_ =	shalt  }

</sc_bundles>
